<compile_context>
chip_gen: v7x
topology: tpu7x:2x2x1
jax: 0.10.2.dev20260603
libtpu: 0.0.44.dev20260713+nightly
codegen_flags: <defaults>
</compile_context>

<pallas_src>
import functools

import jax
import jax.numpy as jnp
from jax import lax
from jax.experimental import pallas as pl
from jax.experimental.pallas import tpu as pltpu
from jax.experimental.pallas import tpu_sc as plsc

_LAT_MIN, _LAT_MAX = -90.0, 90.0
_LON_MIN, _LON_MAX = -180.0, 180.0

_NC, _NS, _LANES = 2, 16, 16
_LB = 8
_WR = 512
_WC = 512
_NBUF = 3


def _splat(coef_v, i):
    return plsc.load_gather(coef_v, [jnp.full((_LANES,), i, jnp.int32)])


def _pipeline(n_chunks, in_start, in_wait, compute, out_start, out_wait):
    for p in range(_NBUF):
        in_start(p, p)

    def chunk_body(c, carry):
        p = c % _NBUF
        in_wait(p)

        @pl.when(c >= _NBUF)
        def _():
            out_wait(p)

        compute(p)
        out_start(c, p)

        @pl.when(c + _NBUF < n_chunks)
        def _():
            in_start(c + _NBUF, p)
        return carry

    lax.fori_loop(0, n_chunks, chunk_body, 0)
    for p in range(_NBUF):
        out_wait(p)


def _sc_body(idx_hbm, loc_hbm, tab_hbm, coef_hbm, out_hbm,
             coef_v, sem_in, sem_out):
    cid = lax.axis_index("c")
    tid = lax.axis_index("s")
    l_total = idx_hbm.shape[0]
    b_half = idx_hbm.shape[1] // _NC
    b_base = cid * b_half
    n_lb = l_total // _LB

    pltpu.sync_copy(coef_hbm, coef_v)
    av = _splat(coef_v, tid)
    cv = _splat(coef_v, 16 + tid)
    dv = _splat(coef_v, 32 + tid)

    def _coords(c, n_bc, w):
        lb = c // n_bc
        bc = c - lb * n_bc
        l0 = pl.multiple_of(lb * _LB, _LB)
        b0 = pl.multiple_of(b_base + bc * w, w)
        return l0, b0

    @pl.when(tid >= 6)
    def _region_role():
        def scoped(plane_v, idx_v, out_v):
            n_bc = b_half // _WR
            n_chunks = n_lb * n_bc
            n_vec = _WR // _LANES

            pltpu.make_async_copy(
                tab_hbm.at[tid - 6], plane_v, sem_in.at[0]).start()
            pltpu.make_async_copy(
                tab_hbm.at[tid - 6], plane_v, sem_in.at[0]).wait()

            def in_start(c, p):
                l0, b0 = _coords(c, n_bc, _WR)
                pltpu.make_async_copy(
                    idx_hbm.at[pl.ds(l0, _LB), pl.ds(b0, _WR)],
                    idx_v.at[p], sem_in.at[p]).start()

            def in_wait(p):
                pltpu.make_async_copy(
                    idx_hbm.at[pl.ds(0, _LB), pl.ds(0, _WR)],
                    idx_v.at[p], sem_in.at[p]).wait()

            def compute(p):
                @plsc.parallel_loop(0, _LB * n_vec, unroll=8)
                def _(i):
                    r = lax.shift_right_logical(i, 5)
                    k = lax.bitwise_and(i, n_vec - 1)
                    ids = idx_v[p, r, pl.ds(k * _LANES, _LANES)]
                    out_v[p, r, pl.ds(k * _LANES, _LANES)] = (
                        plsc.load_gather(plane_v, [ids]))

            def out_start(c, p):
                l0, b0 = _coords(c, n_bc, _WR)
                pltpu.make_async_copy(
                    out_v.at[p],
                    out_hbm.at[pl.ds(l0, _LB), tid, pl.ds(b0, _WR)],
                    sem_out.at[p]).start()

            def out_wait(p):
                pltpu.make_async_copy(
                    out_v.at[p],
                    out_hbm.at[pl.ds(0, _LB), 0, pl.ds(0, _WR)],
                    sem_out.at[p]).wait()

            _pipeline(n_chunks, in_start, in_wait, compute,
                      out_start, out_wait)

        pl.run_scoped(
            scoped,
            pltpu.VMEM((tab_hbm.shape[1],), jnp.float32),
            pltpu.VMEM((_NBUF, _LB, _WR), jnp.int32),
            pltpu.VMEM((_NBUF, _LB, _WR), jnp.float32),
        )

    @pl.when(tid < 6)
    def _coord_role():
        j0 = (tid % 3) * 2
        b_q = b_half // 2
        qb_base = b_base + (tid // 3) * b_q
        avs = [_splat(coef_v, j0), _splat(coef_v, j0 + 1)]
        cvs = [_splat(coef_v, 16 + j0), _splat(coef_v, 16 + j0 + 1)]
        dvs = [_splat(coef_v, 32 + j0), _splat(coef_v, 32 + j0 + 1)]

        def scoped(loc_v, out_v):
            n_bc = b_q // _WC
            n_chunks = n_lb * n_bc
            n_vec = _WC // _LANES

            def qcoords(c):
                lb = c // n_bc
                bc = c - lb * n_bc
                l0 = pl.multiple_of(lb * _LB, _LB)
                b0 = pl.multiple_of(qb_base + bc * _WC, _WC)
                return l0, b0

            def in_start(c, p):
                l0, b0 = qcoords(c)
                pltpu.make_async_copy(
                    loc_hbm.at[pl.ds(l0, _LB), :, pl.ds(b0, _WC)],
                    loc_v.at[p], sem_in.at[p]).start()

            def in_wait(p):
                pltpu.make_async_copy(
                    loc_hbm.at[pl.ds(0, _LB), :, pl.ds(0, _WC)],
                    loc_v.at[p], sem_in.at[p]).wait()

            def compute(p):
                @plsc.parallel_loop(0, _LB * n_vec, unroll=8)
                def _(i):
                    r = lax.shift_right_logical(i, 5)
                    k = lax.bitwise_and(i, n_vec - 1)
                    lat = loc_v[p, r, 0, pl.ds(k * _LANES, _LANES)]
                    lon = loc_v[p, r, 1, pl.ds(k * _LANES, _LANES)]
                    for jj in range(2):
                        out_v[p, jj, r, pl.ds(k * _LANES, _LANES)] = (
                            lat * avs[jj] + lon * cvs[jj] + dvs[jj])

            def out_start(c, p):
                l0, b0 = qcoords(c)
                for jj in range(2):
                    pltpu.make_async_copy(
                        out_v.at[p, jj],
                        out_hbm.at[pl.ds(l0, _LB), j0 + jj, pl.ds(b0, _WC)],
                        sem_out.at[p]).start()

            def out_wait(p):
                for jj in range(2):
                    pltpu.make_async_copy(
                        out_v.at[p, jj],
                        out_hbm.at[pl.ds(0, _LB), 0, pl.ds(0, _WC)],
                        sem_out.at[p]).wait()

            _pipeline(n_chunks, in_start, in_wait, compute,
                      out_start, out_wait)

        pl.run_scoped(
            scoped,
            pltpu.VMEM((_NBUF, _LB, 2, _WC), jnp.float32),
            pltpu.VMEM((_NBUF, 2, _LB, _WC), jnp.float32),
        )


def kernel(location, region_id, coord_W, coord_b, region_table):
    B, L, _ = location.shape
    R = region_table.shape[0]

    a = coord_W[:, 0] / (_LAT_MAX - _LAT_MIN)
    c = coord_W[:, 1] / (_LON_MAX - _LON_MIN)
    d = coord_b + 0.5 * coord_W[:, 0] + 0.5 * coord_W[:, 1]
    pad = jnp.zeros((10,), jnp.float32)
    coefs = jnp.concatenate([a, pad, c, pad, d, pad])

    idx_t = region_id.T
    loc_t = jnp.transpose(location, (1, 2, 0))
    tab_t = region_table.T

    mesh = plsc.VectorSubcoreMesh(core_axis_name="c", subcore_axis_name="s")
    run = functools.partial(
        pl.kernel,
        mesh=mesh,
        out_type=jax.ShapeDtypeStruct((L, 16, B), jnp.float32),
        scratch_types=[
            pltpu.VMEM((48,), jnp.float32),
            pltpu.SemaphoreType.DMA((_NBUF,)),
            pltpu.SemaphoreType.DMA((_NBUF,)),
        ],
        compiler_params=pltpu.CompilerParams(
            needs_layout_passes=False, use_tc_tiling_on_sc=True),
    )(_sc_body)
    out_t = run(idx_t, loc_t, tab_t, coefs)
    return jnp.transpose(out_t, (2, 0, 1))

# --- scband reference (transcript-rebuilt; emitter-appended) ---
"""Pipeline reference for scband-geo-key-encoder-31499290149143 (READ-ONLY COPY).

The authoritative reference and input builder live on the scoring server;
editing this copy changes nothing except your own understanding.
"""

import jax, jax.numpy as jnp
import numpy as np

LAT_MIN, LAT_MAX = -90.0, 90.0
LON_MIN, LON_MAX = -180.0, 180.0
REGION_NUM = 100000
B, L = 16384, 200

def setup_inputs(seed: int = 0) -> dict:
    key = jax.random.key(seed)
    k1, k2, k3, k4, k5 = jax.random.split(key, 5)
    location = jax.random.normal(k1, (B, L, 2), dtype=jnp.float32)
    region_id = jax.random.randint(k2, (B, L), 0, REGION_NUM, dtype=jnp.int32)
    # Linear(2, 6): weight [6,2] torch convention, bias [6]
    coord_W = jax.random.normal(k3, (6, 2), dtype=jnp.float32) * (1.0 / np.sqrt(2.0))
    coord_b = jax.random.normal(k4, (6,), dtype=jnp.float32) * 0.01
    # Embedding(REGION_NUM, 10)
    region_table = jax.random.normal(k5, (REGION_NUM, 10), dtype=jnp.float32)
    return {"location": location, "region_id": region_id, "coord_W": coord_W, "coord_b": coord_b, "region_table": region_table}

def reference(location, region_id, coord_W, coord_b, region_table):
    lat = (location[:, :, 0] - LAT_MIN) / (LAT_MAX - LAT_MIN)
    lon = (location[:, :, 1] - LON_MIN) / (LON_MAX - LON_MIN)
    loc_norm = jnp.stack([lat, lon], axis=-1)
    # coord_emb = loc_norm @ W.T + b  (torch Linear semantics)
    coord_emb = jnp.einsum('blc,oc->blo', loc_norm, coord_W) + coord_b
    # region embedding: gather rows
    region_emb = jnp.take(region_table, region_id, axis=0)
    return jnp.concatenate([coord_emb, region_emb], axis=-1)

if __name__ == "__main__":
    import jax
    _d = setup_inputs()
    print(jax.jit(kernel)(*tuple(_d.values())))

</pallas_src>

<mosaic_0001>
#map = affine_map<(d0, d1) -> (0, 0)>
#map1 = affine_map<(d0, d1) -> (0, 0, 0)>
#map2 = affine_map<(d0, d1) -> (0)>
module attributes {stable_mosaic.version = 14 : i64} {
  func.func @_sc_body(%arg0: i32, %arg1: i32, %arg2: memref<200x16384xi32, #tpu.memory_space<hbm>>, %arg3: memref<200x2x16384xf32, #tpu.memory_space<hbm>>, %arg4: memref<10x100000xf32, #tpu.memory_space<hbm>>, %arg5: memref<48xf32, #tpu.memory_space<hbm>>, %arg6: memref<200x16x16384xf32, #tpu.memory_space<hbm>>, %arg7: memref<48xf32, #tpu.memory_space<vmem>>, %arg8: memref<3x!tpu.dma_semaphore, #tpu.memory_space<semaphore_mem>>, %arg9: memref<3x!tpu.dma_semaphore, #tpu.memory_space<semaphore_mem>>) attributes {dimension_semantics = [#tpu.dimension_semantics<core_parallel>, #tpu.dimension_semantics<subcore_parallel>], iteration_bounds = array<i64: 2, 16>, scalar_prefetch = 0 : i64, scratch_operands = 3 : i64, tpu.core_type = #tpu.core_type<sc_vector_subcore>, window_params = [{transform_indices = #map}, {transform_indices = #map1}, {transform_indices = #map}, {transform_indices = #map2}, {transform_indices = #map1}]} {
    %mul3A = arith.constant 8192 : i32
    %mul3A_0 = arith.muli %arg0, %mul3A : i32
    "tpu.region"() ({
      %run_scoped3A = tpu.sem_alloc : memref<!tpu.dma_semaphore, #tpu.memory_space<semaphore_mem>>
      tpu.enqueue_dma source(%arg5 : memref<48xf32, #tpu.memory_space<hbm>>) target(%arg7 : memref<48xf32, #tpu.memory_space<vmem>>) target_semaphore(%run_scoped3A : memref<!tpu.dma_semaphore, #tpu.memory_space<semaphore_mem>>)
      tpu.wait_dma2 semaphore(%run_scoped3A : memref<!tpu.dma_semaphore, #tpu.memory_space<semaphore_mem>>) src(%arg5 : memref<48xf32, #tpu.memory_space<hbm>>) dst(%arg7 : memref<48xf32, #tpu.memory_space<vmem>>)
      tpu.yield
    }) : () -> ()
    %broadcast_in_dim3A = vector.broadcast %arg1 : i32 to vector<16xi32>
    %gather3A = tpu.vector_load_idx %arg7[%broadcast_in_dim3A] : memref<48xf32, #tpu.memory_space<vmem>>[vector<16xi32>], vector<16xf32>,
    %add3A = arith.constant 16 : i32
    %add3A_1 = arith.addi %add3A, %arg1 : i32
    %broadcast_in_dim3A_2 = vector.broadcast %add3A_1 : i32 to vector<16xi32>
    %gather3A_3 = tpu.vector_load_idx %arg7[%broadcast_in_dim3A_2] : memref<48xf32, #tpu.memory_space<vmem>>[vector<16xi32>], vector<16xf32>,
    %add3A_4 = arith.constant 32 : i32
    %add3A_5 = arith.addi %add3A_4, %arg1 : i32
    %broadcast_in_dim3A_6 = vector.broadcast %add3A_5 : i32 to vector<16xi32>
    %gather3A_7 = tpu.vector_load_idx %arg7[%broadcast_in_dim3A_6] : memref<48xf32, #tpu.memory_space<vmem>>[vector<16xi32>], vector<16xf32>,
    %ge3A = arith.constant 6 : i32
    %ge3A_8 = arith.cmpi sge, %arg1, %ge3A : i32
    %convert_element_type3A = arith.extui %ge3A_8 : i1 to i32
    %cond3A = arith.constant 0 : i32
    %cond3A_9 = arith.cmpi ne, %convert_element_type3A, %cond3A : i32
    scf.if %cond3A_9 {
      "tpu.region"() ({
        %run_scoped3A = memref.alloca() : memref<100000xf32, #tpu.memory_space<vmem>>
        %run_scoped3A_14 = memref.alloca() : memref<3x8x512xi32, #tpu.memory_space<vmem>>
        %run_scoped3A_15 = memref.alloca() : memref<3x8x512xf32, #tpu.memory_space<vmem>>
        %sub3A = arith.constant 6 : i32
        %sub3A_16 = arith.subi %arg1, %sub3A : i32
        %dma_start3A = arith.constant 0 : i32
        %dma_start3A_17 = arith.constant 0 : i32
        %dma_start3A_18 = tpu.memref_slice %arg4[%sub3A_16, %dma_start3A_17] : memref<10x100000xf32, #tpu.memory_space<hbm>> -> memref<1x100000xf32, #tpu.memory_space<hbm>>
        %dma_start3A_19 = tpu.memref_squeeze %dma_start3A_18 : memref<1x100000xf32, #tpu.memory_space<hbm>> -> memref<100000xf32, #tpu.memory_space<hbm>>
        %dma_start3A_20 = tpu.memref_slice %arg8[%dma_start3A] : memref<3x!tpu.dma_semaphore, #tpu.memory_space<semaphore_mem>> -> memref<1x!tpu.dma_semaphore, #tpu.memory_space<semaphore_mem>>
        %dma_start3A_21 = tpu.memref_squeeze %dma_start3A_20 : memref<1x!tpu.dma_semaphore, #tpu.memory_space<semaphore_mem>> -> memref<!tpu.dma_semaphore, #tpu.memory_space<semaphore_mem>>
        %dma_start3A_22 = arith.constant 0 : i32
        %dma_start3A_23 = tpu.memref_slice %arg4[%sub3A_16, %dma_start3A_22] : memref<10x100000xf32, #tpu.memory_space<hbm>> -> memref<1x100000xf32, #tpu.memory_space<hbm>>
        %dma_start3A_24 = tpu.memref_squeeze %dma_start3A_23 : memref<1x100000xf32, #tpu.memory_space<hbm>> -> memref<100000xf32, #tpu.memory_space<hbm>>
        tpu.enqueue_dma source(%dma_start3A_24 : memref<100000xf32, #tpu.memory_space<hbm>>) target(%run_scoped3A : memref<100000xf32, #tpu.memory_space<vmem>>) target_semaphore(%dma_start3A_21 : memref<!tpu.dma_semaphore, #tpu.memory_space<semaphore_mem>>)
        %sub3A_25 = arith.constant 6 : i32
        %sub3A_26 = arith.subi %arg1, %sub3A_25 : i32
        %dma_wait3A = arith.constant 0 : i32
        %dma_wait3A_27 = arith.constant 0 : i32
        %dma_wait3A_28 = tpu.memref_slice %arg4[%sub3A_26, %dma_wait3A_27] : memref<10x100000xf32, #tpu.memory_space<hbm>> -> memref<1x100000xf32, #tpu.memory_space<hbm>>
        %dma_wait3A_29 = tpu.memref_squeeze %dma_wait3A_28 : memref<1x100000xf32, #tpu.memory_space<hbm>> -> memref<100000xf32, #tpu.memory_space<hbm>>
        %dma_wait3A_30 = tpu.memref_slice %arg8[%dma_wait3A] : memref<3x!tpu.dma_semaphore, #tpu.memory_space<semaphore_mem>> -> memref<1x!tpu.dma_semaphore, #tpu.memory_space<semaphore_mem>>
        %dma_wait3A_31 = tpu.memref_squeeze %dma_wait3A_30 : memref<1x!tpu.dma_semaphore, #tpu.memory_space<semaphore_mem>> -> memref<!tpu.dma_semaphore, #tpu.memory_space<semaphore_mem>>
        %dma_wait3A_32 = arith.constant 0 : i32
        %dma_wait3A_33 = tpu.memref_slice %arg4[%sub3A_26, %dma_wait3A_32] : memref<10x100000xf32, #tpu.memory_space<hbm>> -> memref<1x100000xf32, #tpu.memory_space<hbm>>
        %dma_wait3A_34 = tpu.memref_squeeze %dma_wait3A_33 : memref<1x100000xf32, #tpu.memory_space<hbm>> -> memref<100000xf32, #tpu.memory_space<hbm>>
        tpu.wait_dma2 semaphore(%dma_wait3A_31 : memref<!tpu.dma_semaphore, #tpu.memory_space<semaphore_mem>>) src(%dma_wait3A_34 : memref<100000xf32, #tpu.memory_space<hbm>>) dst(%run_scoped3A : memref<100000xf32, #tpu.memory_space<vmem>>)
        %multiple_of3A = arith.constant 0 : i32
        %multiple_of3A_35 = tpu.assume_multiple %multiple_of3A, 8 : i32
        %add3A_36 = arith.constant 0 : i32
        %add3A_37 = arith.addi %mul3A_0, %add3A_36 : i32
        %multiple_of3A_38 = tpu.assume_multiple %add3A_37, 512 : i32
        %dma_start3A_39 = arith.constant 0 : i32
        %dma_start3A_40 = arith.constant 0 : i32
        %dma_start3A_41 = arith.constant 0 : i32
        %dma_start3A_42 = arith.constant 0 : i32
        %dma_start3A_43 = tpu.memref_slice %run_scoped3A_14[%dma_start3A_39, %dma_start3A_41, %dma_start3A_42] : memref<3x8x512xi32, #tpu.memory_space<vmem>> -> memref<1x8x512xi32, #tpu.memory_space<vmem>>
        %dma_start3A_44 = tpu.memref_squeeze %dma_start3A_43 : memref<1x8x512xi32, #tpu.memory_space<vmem>> -> memref<8x512xi32, #tpu.memory_space<vmem>>
        %dma_start3A_45 = tpu.memref_slice %arg2[%multiple_of3A_35, %multiple_of3A_38] : memref<200x16384xi32, #tpu.memory_space<hbm>> -> memref<8x512xi32, #tpu.memory_space<hbm>>
        %dma_start3A_46 = tpu.memref_slice %arg8[%dma_start3A_40] : memref<3x!tpu.dma_semaphore, #tpu.memory_space<semaphore_mem>> -> memref<1x!tpu.dma_semaphore, #tpu.memory_space<semaphore_mem>>
        %dma_start3A_47 = tpu.memref_squeeze %dma_start3A_46 : memref<1x!tpu.dma_semaphore, #tpu.memory_space<semaphore_mem>> -> memref<!tpu.dma_semaphore, #tpu.memory_space<semaphore_mem>>
        %dma_start3A_48 = arith.constant 0 : i32
        %dma_start3A_49 = arith.constant 0 : i32
        %dma_start3A_50 = tpu.memref_slice %run_scoped3A_14[%dma_start3A_39, %dma_start3A_48, %dma_start3A_49] : memref<3x8x512xi32, #tpu.memory_space<vmem>> -> memref<1x8x512xi32, #tpu.memory_space<vmem>>
        %dma_start3A_51 = tpu.memref_squeeze %dma_start3A_50 : memref<1x8x512xi32, #tpu.memory_space<vmem>> -> memref<8x512xi32, #tpu.memory_space<vmem>>
        %dma_start3A_52 = tpu.memref_slice %arg2[%multiple_of3A_35, %multiple_of3A_38] : memref<200x16384xi32, #tpu.memory_space<hbm>> -> memref<8x512xi32, #tpu.memory_space<hbm>>
        tpu.enqueue_dma source(%dma_start3A_52 : memref<8x512xi32, #tpu.memory_space<hbm>>) target(%dma_start3A_51 : memref<8x512xi32, #tpu.memory_space<vmem>>) target_semaphore(%dma_start3A_47 : memref<!tpu.dma_semaphore, #tpu.memory_space<semaphore_mem>>)
        %multiple_of3A_53 = arith.constant 0 : i32
        %multiple_of3A_54 = tpu.assume_multiple %multiple_of3A_53, 8 : i32
        %add3A_55 = arith.constant 512 : i32
        %add3A_56 = arith.addi %mul3A_0, %add3A_55 : i32
        %multiple_of3A_57 = tpu.assume_multiple %add3A_56, 512 : i32
        %dma_start3A_58 = arith.constant 1 : i32
        %dma_start3A_59 = arith.constant 1 : i32
        %dma_start3A_60 = arith.constant 0 : i32
        %dma_start3A_61 = arith.constant 0 : i32
        %dma_start3A_62 = tpu.memref_slice %run_scoped3A_14[%dma_start3A_58, %dma_start3A_60, %dma_start3A_61] : memref<3x8x512xi32, #tpu.memory_space<vmem>> -> memref<1x8x512xi32, #tpu.memory_space<vmem>>
        %dma_start3A_63 = tpu.memref_squeeze %dma_start3A_62 : memref<1x8x512xi32, #tpu.memory_space<vmem>> -> memref<8x512xi32, #tpu.memory_space<vmem>>
        %dma_start3A_64 = tpu.memref_slice %arg2[%multiple_of3A_54, %multiple_of3A_57] : memref<200x16384xi32, #tpu.memory_space<hbm>> -> memref<8x512xi32, #tpu.memory_space<hbm>>
        %dma_start3A_65 = tpu.memref_slice %arg8[%dma_start3A_59] : memref<3x!tpu.dma_semaphore, #tpu.memory_space<semaphore_mem>> -> memref<1x!tpu.dma_semaphore, #tpu.memory_space<semaphore_mem>>
        %dma_start3A_66 = tpu.memref_squeeze %dma_start3A_65 : memref<1x!tpu.dma_semaphore, #tpu.memory_space<semaphore_mem>> -> memref<!tpu.dma_semaphore, #tpu.memory_space<semaphore_mem>>
        %dma_start3A_67 = arith.constant 0 : i32
        %dma_start3A_68 = arith.constant 0 : i32
        %dma_start3A_69 = tpu.memref_slice %run_scoped3A_14[%dma_start3A_58, %dma_start3A_67, %dma_start3A_68] : memref<3x8x512xi32, #tpu.memory_space<vmem>> -> memref<1x8x512xi32, #tpu.memory_space<vmem>>
        %dma_start3A_70 = tpu.memref_squeeze %dma_start3A_69 : memref<1x8x512xi32, #tpu.memory_space<vmem>> -> memref<8x512xi32, #tpu.memory_space<vmem>>
        %dma_start3A_71 = tpu.memref_slice %arg2[%multiple_of3A_54, %multiple_of3A_57] : memref<200x16384xi32, #tpu.memory_space<hbm>> -> memref<8x512xi32, #tpu.memory_space<hbm>>
        tpu.enqueue_dma source(%dma_start3A_71 : memref<8x512xi32, #tpu.memory_space<hbm>>) target(%dma_start3A_70 : memref<8x512xi32, #tpu.memory_space<vmem>>) target_semaphore(%dma_start3A_66 : memref<!tpu.dma_semaphore, #tpu.memory_space<semaphore_mem>>)
        %multiple_of3A_72 = arith.constant 0 : i32
        %multiple_of3A_73 = tpu.assume_multiple %multiple_of3A_72, 8 : i32
        %add3A_74 = arith.constant 1024 : i32
        %add3A_75 = arith.addi %mul3A_0, %add3A_74 : i32
        %multiple_of3A_76 = tpu.assume_multiple %add3A_75, 512 : i32
        %dma_start3A_77 = arith.constant 2 : i32
        %dma_start3A_78 = arith.constant 2 : i32
        %dma_start3A_79 = arith.constant 0 : i32
        %dma_start3A_80 = arith.constant 0 : i32
        %dma_start3A_81 = tpu.memref_slice %run_scoped3A_14[%dma_start3A_77, %dma_start3A_79, %dma_start3A_80] : memref<3x8x512xi32, #tpu.memory_space<vmem>> -> memref<1x8x512xi32, #tpu.memory_space<vmem>>
        %dma_start3A_82 = tpu.memref_squeeze %dma_start3A_81 : memref<1x8x512xi32, #tpu.memory_space<vmem>> -> memref<8x512xi32, #tpu.memory_space<vmem>>
        %dma_start3A_83 = tpu.memref_slice %arg2[%multiple_of3A_73, %multiple_of3A_76] : memref<200x16384xi32, #tpu.memory_space<hbm>> -> memref<8x512xi32, #tpu.memory_space<hbm>>
        %dma_start3A_84 = tpu.memref_slice %arg8[%dma_start3A_78] : memref<3x!tpu.dma_semaphore, #tpu.memory_space<semaphore_mem>> -> memref<1x!tpu.dma_semaphore, #tpu.memory_space<semaphore_mem>>
        %dma_start3A_85 = tpu.memref_squeeze %dma_start3A_84 : memref<1x!tpu.dma_semaphore, #tpu.memory_space<semaphore_mem>> -> memref<!tpu.dma_semaphore, #tpu.memory_space<semaphore_mem>>
        %dma_start3A_86 = arith.constant 0 : i32
        %dma_start3A_87 = arith.constant 0 : i32
        %dma_start3A_88 = tpu.memref_slice %run_scoped3A_14[%dma_start3A_77, %dma_start3A_86, %dma_start3A_87] : memref<3x8x512xi32, #tpu.memory_space<vmem>> -> memref<1x8x512xi32, #tpu.memory_space<vmem>>
        %dma_start3A_89 = tpu.memref_squeeze %dma_start3A_88 : memref<1x8x512xi32, #tpu.memory_space<vmem>> -> memref<8x512xi32, #tpu.memory_space<vmem>>
        %dma_start3A_90 = tpu.memref_slice %arg2[%multiple_of3A_73, %multiple_of3A_76] : memref<200x16384xi32, #tpu.memory_space<hbm>> -> memref<8x512xi32, #tpu.memory_space<hbm>>
        tpu.enqueue_dma source(%dma_start3A_90 : memref<8x512xi32, #tpu.memory_space<hbm>>) target(%dma_start3A_89 : memref<8x512xi32, #tpu.memory_space<vmem>>) target_semaphore(%dma_start3A_85 : memref<!tpu.dma_semaphore, #tpu.memory_space<semaphore_mem>>)
        %scan3A = arith.constant 0 : i32
        %scan3A_91 = arith.constant 0 : i32
        %scan3A_92 = arith.constant 400 : i32
        %scan3A_93 = arith.addi %scan3A_91, %scan3A_92 : i32
        %scan3A_94 = arith.constant 1 : i32
        scf.for %scan3A_159 = %scan3A_91 to %scan3A_93 step %scan3A_94  : i32 {
          %jit3A = arith.constant 3 : i32
          %eq3A = arith.constant 0 : i32
          %eq3A_160 = arith.cmpi eq, %jit3A, %eq3A : i32
          %jit3A_161 = arith.constant 1 : i32
          %select_n3A = arith.select %eq3A_160, %jit3A_161, %jit3A : i32
          %rem3A = arith.remsi %scan3A_159, %select_n3A : i32
          %ne3A = arith.constant 0 : i32
          %ne3A_162 = arith.cmpi ne, %rem3A, %ne3A : i32
          %lt3A_163 = arith.constant 0 : i32
          %lt3A_164 = arith.cmpi slt, %rem3A, %lt3A_163 : i32
          %lt3A_165 = arith.constant 0 : i32
          %lt3A_166 = arith.cmpi slt, %select_n3A, %lt3A_165 : i32
          %ne3A_167 = arith.xori %lt3A_164, %lt3A_166 : i1
          %and3A = arith.andi %ne3A_167, %ne3A_162 : i1
          %add3A_168 = arith.addi %rem3A, %select_n3A : i32
          %select_n3A_169 = arith.select %and3A, %add3A_168, %rem3A : i32
          %dma_wait3A_170 = arith.constant 0 : i32
          %dma_wait3A_171 = arith.constant 0 : i32
          %dma_wait3A_172 = tpu.memref_slice %run_scoped3A_14[%select_n3A_169, %dma_wait3A_170, %dma_wait3A_171] : memref<3x8x512xi32, #tpu.memory_space<vmem>> -> memref<1x8x512xi32, #tpu.memory_space<vmem>>
          %dma_wait3A_173 = tpu.memref_squeeze %dma_wait3A_172 : memref<1x8x512xi32, #tpu.memory_space<vmem>> -> memref<8x512xi32, #tpu.memory_space<vmem>>
          %dma_wait3A_174 = arith.constant 0 : i32
          %dma_wait3A_175 = arith.constant 0 : i32
          %dma_wait3A_176 = tpu.memref_slice %arg2[%dma_wait3A_174, %dma_wait3A_175] : memref<200x16384xi32, #tpu.memory_space<hbm>> -> memref<8x512xi32, #tpu.memory_space<hbm>>
          %dma_wait3A_177 = tpu.memref_slice %arg8[%select_n3A_169] : memref<3x!tpu.dma_semaphore, #tpu.memory_space<semaphore_mem>> -> memref<1x!tpu.dma_semaphore, #tpu.memory_space<semaphore_mem>>
          %dma_wait3A_178 = tpu.memref_squeeze %dma_wait3A_177 : memref<1x!tpu.dma_semaphore, #tpu.memory_space<semaphore_mem>> -> memref<!tpu.dma_semaphore, #tpu.memory_space<semaphore_mem>>
          %dma_wait3A_179 = arith.constant 0 : i32
          %dma_wait3A_180 = arith.constant 0 : i32
          %dma_wait3A_181 = tpu.memref_slice %run_scoped3A_14[%select_n3A_169, %dma_wait3A_179, %dma_wait3A_180] : memref<3x8x512xi32, #tpu.memory_space<vmem>> -> memref<1x8x512xi32, #tpu.memory_space<vmem>>
          %dma_wait3A_182 = tpu.memref_squeeze %dma_wait3A_181 : memref<1x8x512xi32, #tpu.memory_space<vmem>> -> memref<8x512xi32, #tpu.memory_space<vmem>>
          %dma_wait3A_183 = arith.constant 0 : i32
          %dma_wait3A_184 = arith.constant 0 : i32
          %dma_wait3A_185 = tpu.memref_slice %arg2[%dma_wait3A_183, %dma_wait3A_184] : memref<200x16384xi32, #tpu.memory_space<hbm>> -> memref<8x512xi32, #tpu.memory_space<hbm>>
          tpu.wait_dma2 semaphore(%dma_wait3A_178 : memref<!tpu.dma_semaphore, #tpu.memory_space<semaphore_mem>>) src(%dma_wait3A_185 : memref<8x512xi32, #tpu.memory_space<hbm>>) dst(%dma_wait3A_182 : memref<8x512xi32, #tpu.memory_space<vmem>>)
          %ge3A_186 = arith.constant 3 : i32
          %ge3A_187 = arith.cmpi sge, %scan3A_159, %ge3A_186 : i32
          %convert_element_type3A_188 = arith.extui %ge3A_187 : i1 to i32
          %cond3A_189 = arith.constant 0 : i32
          %cond3A_190 = arith.cmpi ne, %convert_element_type3A_188, %cond3A_189 : i32
          scf.if %cond3A_190 {
            %dma_wait3A_246 = arith.constant 0 : i32
            %dma_wait3A_247 = arith.constant 0 : i32
            %dma_wait3A_248 = arith.constant 0 : i32
            %dma_wait3A_249 = tpu.memref_slice %run_scoped3A_15[%select_n3A_169, %dma_wait3A_247, %dma_wait3A_248] : memref<3x8x512xf32, #tpu.memory_space<vmem>> -> memref<1x8x512xf32, #tpu.memory_space<vmem>>
            %dma_wait3A_250 = tpu.memref_squeeze %dma_wait3A_249 : memref<1x8x512xf32, #tpu.memory_space<vmem>> -> memref<8x512xf32, #tpu.memory_space<vmem>>
            %dma_wait3A_251 = arith.constant 0 : i32
            %dma_wait3A_252 = arith.constant 0 : i32
            %dma_wait3A_253 = tpu.memref_slice %arg6[%dma_wait3A_251, %dma_wait3A_246, %dma_wait3A_252] : memref<200x16x16384xf32, #tpu.memory_space<hbm>> -> memref<8x1x512xf32, #tpu.memory_space<hbm>>
            %dma_wait3A_254 = tpu.memref_squeeze %dma_wait3A_253 : memref<8x1x512xf32, #tpu.memory_space<hbm>> -> memref<8x512xf32, #tpu.memory_space<hbm>>
            %dma_wait3A_255 = tpu.memref_slice %arg9[%select_n3A_169] : memref<3x!tpu.dma_semaphore, #tpu.memory_space<semaphore_mem>> -> memref<1x!tpu.dma_semaphore, #tpu.memory_space<semaphore_mem>>
            %dma_wait3A_256 = tpu.memref_squeeze %dma_wait3A_255 : memref<1x!tpu.dma_semaphore, #tpu.memory_space<semaphore_mem>> -> memref<!tpu.dma_semaphore, #tpu.memory_space<semaphore_mem>>
            %dma_wait3A_257 = arith.constant 0 : i32
            %dma_wait3A_258 = arith.constant 0 : i32
            %dma_wait3A_259 = tpu.memref_slice %arg6[%dma_wait3A_257, %dma_wait3A_246, %dma_wait3A_258] : memref<200x16x16384xf32, #tpu.memory_space<hbm>> -> memref<8x1x512xf32, #tpu.memory_space<hbm>>
            %dma_wait3A_260 = tpu.memref_squeeze %dma_wait3A_259 : memref<8x1x512xf32, #tpu.memory_space<hbm>> -> memref<8x512xf32, #tpu.memory_space<hbm>>
            %dma_wait3A_261 = arith.constant 0 : i32
            %dma_wait3A_262 = arith.constant 0 : i32
            %dma_wait3A_263 = tpu.memref_slice %run_scoped3A_15[%select_n3A_169, %dma_wait3A_261, %dma_wait3A_262] : memref<3x8x512xf32, #tpu.memory_space<vmem>> -> memref<1x8x512xf32, #tpu.memory_space<vmem>>
            %dma_wait3A_264 = tpu.memref_squeeze %dma_wait3A_263 : memref<1x8x512xf32, #tpu.memory_space<vmem>> -> memref<8x512xf32, #tpu.memory_space<vmem>>
            tpu.wait_dma2 semaphore(%dma_wait3A_256 : memref<!tpu.dma_semaphore, #tpu.memory_space<semaphore_mem>>) src(%dma_wait3A_264 : memref<8x512xf32, #tpu.memory_space<vmem>>) dst(%dma_wait3A_260 : memref<8x512xf32, #tpu.memory_space<hbm>>)
          } else {
          }
          %parallel_loop3A = arith.constant 0 : i32
          %parallel_loop3A_191 = arith.constant 256 : i32
          %parallel_loop3A_192 = arith.constant 1 : i32
          scf.for %parallel_loop3A_246 = %parallel_loop3A to %parallel_loop3A_191 step %parallel_loop3A_192  : i32 {
            %parallel_loop3A_247 = arith.constant 5 : i32
            %parallel_loop3A_248 = arith.shrui %parallel_loop3A_246, %parallel_loop3A_247 : i32
            %parallel_loop3A_249 = arith.constant 31 : i32
            %parallel_loop3A_250 = arith.andi %parallel_loop3A_246, %parallel_loop3A_249 : i32
            %parallel_loop3A_251 = arith.constant 16 : i32
            %parallel_loop3A_252 = arith.muli %parallel_loop3A_250, %parallel_loop3A_251 : i32
            %parallel_loop3A_253 = arith.index_cast %select_n3A_169 : i32 to index
            %parallel_loop3A_254 = arith.index_cast %parallel_loop3A_248 : i32 to index
            %parallel_loop3A_255 = arith.index_cast %parallel_loop3A_252 : i32 to index
            %parallel_loop3A_256 = tpu.vector_load %run_scoped3A_14[%parallel_loop3A_253, %parallel_loop3A_254, %parallel_loop3A_255] {strides = array<i32>} : memref<3x8x512xi32, #tpu.memory_space<vmem>>, vector<16xi32>,
            %parallel_loop3A_257 = tpu.vector_load_idx %run_scoped3A[%parallel_loop3A_256] : memref<100000xf32, #tpu.memory_space<vmem>>[vector<16xi32>], vector<16xf32>,
            %parallel_loop3A_258 = arith.constant 16 : i32
            %parallel_loop3A_259 = arith.muli %parallel_loop3A_250, %parallel_loop3A_258 : i32
            %parallel_loop3A_260 = arith.index_cast %select_n3A_169 : i32 to index
            %parallel_loop3A_261 = arith.index_cast %parallel_loop3A_248 : i32 to index
            %parallel_loop3A_262 = arith.index_cast %parallel_loop3A_259 : i32 to index
            %parallel_loop3A_263 = tpu.vector_load %run_scoped3A_15[%parallel_loop3A_260, %parallel_loop3A_261, %parallel_loop3A_262] {strides = array<i32>} : memref<3x8x512xf32, #tpu.memory_space<vmem>>, vector<16xf32>,
            tpu.vector_store %run_scoped3A_15[%parallel_loop3A_260, %parallel_loop3A_261, %parallel_loop3A_262], %parallel_loop3A_257 {strides = array<i32>} : memref<3x8x512xf32, #tpu.memory_space<vmem>>, vector<16xf32>,
          } {sc.loop_unroll_factor = 8 : i64, sc.parallel_access}
          %jit3A_193 = arith.constant 16 : i32
          %div3A = arith.divsi %scan3A_159, %jit3A_193 : i32
          %sign3A = arith.constant 0 : i32
          %sign3A_194 = arith.cmpi sgt, %scan3A_159, %sign3A : i32
          %sign3A_195 = arith.extui %sign3A_194 : i1 to i32
          %sign3A_196 = arith.constant 0 : i32
          %sign3A_197 = arith.cmpi slt, %scan3A_159, %sign3A_196 : i32
          %sign3A_198 = arith.extui %sign3A_197 : i1 to i32
          %sign3A_199 = arith.subi %sign3A_195, %sign3A_198 : i32
          %sign3A_200 = arith.constant 0 : i32
          %sign3A_201 = arith.cmpi sgt, %jit3A_193, %sign3A_200 : i32
          %sign3A_202 = arith.extui %sign3A_201 : i1 to i32
          %sign3A_203 = arith.constant 0 : i32
          %sign3A_204 = arith.cmpi slt, %jit3A_193, %sign3A_203 : i32
          %sign3A_205 = arith.extui %sign3A_204 : i1 to i32
          %sign3A_206 = arith.subi %sign3A_202, %sign3A_205 : i32
          %ne3A_207 = arith.cmpi ne, %sign3A_199, %sign3A_206 : i32
          %rem3A_208 = arith.remsi %scan3A_159, %jit3A_193 : i32
          %ne3A_209 = arith.constant 0 : i32
          %ne3A_210 = arith.cmpi ne, %rem3A_208, %ne3A_209 : i32
          %and3A_211 = arith.andi %ne3A_207, %ne3A_210 : i1
          %sub3A_212 = arith.constant 1 : i32
          %sub3A_213 = arith.subi %div3A, %sub3A_212 : i32
          %select_n3A_214 = arith.select %and3A_211, %sub3A_213, %div3A : i32
          %mul3A_215 = arith.constant 16 : i32
          %mul3A_216 = arith.muli %select_n3A_214, %mul3A_215 : i32
          %sub3A_217 = arith.subi %scan3A_159, %mul3A_216 : i32
          %mul3A_218 = arith.constant 8 : i32
          %mul3A_219 = arith.muli %select_n3A_214, %mul3A_218 : i32
          %multiple_of3A_220 = tpu.assume_multiple %mul3A_219, 8 : i32
          %mul3A_221 = arith.constant 512 : i32
          %mul3A_222 = arith.muli %sub3A_217, %mul3A_221 : i32
          %add3A_223 = arith.addi %mul3A_0, %mul3A_222 : i32
          %multiple_of3A_224 = tpu.assume_multiple %add3A_223, 512 : i32
          %dma_start3A_225 = arith.constant 0 : i32
          %dma_start3A_226 = arith.constant 0 : i32
          %dma_start3A_227 = tpu.memref_slice %run_scoped3A_15[%select_n3A_169, %dma_start3A_225, %dma_start3A_226] : memref<3x8x512xf32, #tpu.memory_space<vmem>> -> memref<1x8x512xf32, #tpu.memory_space<vmem>>
          %dma_start3A_228 = tpu.memref_squeeze %dma_start3A_227 : memref<1x8x512xf32, #tpu.memory_space<vmem>> -> memref<8x512xf32, #tpu.memory_space<vmem>>
          %dma_start3A_229 = tpu.memref_slice %arg6[%multiple_of3A_220, %arg1, %multiple_of3A_224] : memref<200x16x16384xf32, #tpu.memory_space<hbm>> -> memref<8x1x512xf32, #tpu.memory_space<hbm>>
          %dma_start3A_230 = tpu.memref_squeeze %dma_start3A_229 : memref<8x1x512xf32, #tpu.memory_space<hbm>> -> memref<8x512xf32, #tpu.memory_space<hbm>>
          %dma_start3A_231 = tpu.memref_slice %arg9[%select_n3A_169] : memref<3x!tpu.dma_semaphore, #tpu.memory_space<semaphore_mem>> -> memref<1x!tpu.dma_semaphore, #tpu.memory_space<semaphore_mem>>
          %dma_start3A_232 = tpu.memref_squeeze %dma_start3A_231 : memref<1x!tpu.dma_semaphore, #tpu.memory_space<semaphore_mem>> -> memref<!tpu.dma_semaphore, #tpu.memory_space<semaphore_mem>>
          %dma_start3A_233 = tpu.memref_slice %arg6[%multiple_of3A_220, %arg1, %multiple_of3A_224] : memref<200x16x16384xf32, #tpu.memory_space<hbm>> -> memref<8x1x512xf32, #tpu.memory_space<hbm>>
          %dma_start3A_234 = tpu.memref_squeeze %dma_start3A_233 : memref<8x1x512xf32, #tpu.memory_space<hbm>> -> memref<8x512xf32, #tpu.memory_space<hbm>>
          %dma_start3A_235 = arith.constant 0 : i32
          %dma_start3A_236 = arith.constant 0 : i32
          %dma_start3A_237 = tpu.memref_slice %run_scoped3A_15[%select_n3A_169, %dma_start3A_235, %dma_start3A_236] : memref<3x8x512xf32, #tpu.memory_space<vmem>> -> memref<1x8x512xf32, #tpu.memory_space<vmem>>
          %dma_start3A_238 = tpu.memref_squeeze %dma_start3A_237 : memref<1x8x512xf32, #tpu.memory_space<vmem>> -> memref<8x512xf32, #tpu.memory_space<vmem>>
          tpu.enqueue_dma source(%dma_start3A_238 : memref<8x512xf32, #tpu.memory_space<vmem>>) target(%dma_start3A_234 : memref<8x512xf32, #tpu.memory_space<hbm>>) target_semaphore(%dma_start3A_232 : memref<!tpu.dma_semaphore, #tpu.memory_space<semaphore_mem>>)
          %add3A_239 = arith.constant 3 : i32
          %add3A_240 = arith.addi %scan3A_159, %add3A_239 : i32
          %lt3A_241 = arith.constant 400 : i32
          %lt3A_242 = arith.cmpi slt, %add3A_240, %lt3A_241 : i32
          %convert_element_type3A_243 = arith.extui %lt3A_242 : i1 to i32
          %cond3A_244 = arith.constant 0 : i32
          %cond3A_245 = arith.cmpi ne, %convert_element_type3A_243, %cond3A_244 : i32
          scf.if %cond3A_245 {
            %add3A_246 = arith.constant 3 : i32
            %add3A_247 = arith.addi %scan3A_159, %add3A_246 : i32
            %jit3A_248 = arith.constant 16 : i32
            %div3A_249 = arith.divsi %add3A_247, %jit3A_248 : i32
            %sign3A_250 = arith.constant 0 : i32
            %sign3A_251 = arith.cmpi sgt, %add3A_247, %sign3A_250 : i32
            %sign3A_252 = arith.extui %sign3A_251 : i1 to i32
            %sign3A_253 = arith.constant 0 : i32
            %sign3A_254 = arith.cmpi slt, %add3A_247, %sign3A_253 : i32
            %sign3A_255 = arith.extui %sign3A_254 : i1 to i32
            %sign3A_256 = arith.subi %sign3A_252, %sign3A_255 : i32
            %sign3A_257 = arith.constant 0 : i32
            %sign3A_258 = arith.cmpi sgt, %jit3A_248, %sign3A_257 : i32
            %sign3A_259 = arith.extui %sign3A_258 : i1 to i32
            %sign3A_260 = arith.constant 0 : i32
            %sign3A_261 = arith.cmpi slt, %jit3A_248, %sign3A_260 : i32
            %sign3A_262 = arith.extui %sign3A_261 : i1 to i32
            %sign3A_263 = arith.subi %sign3A_259, %sign3A_262 : i32
            %ne3A_264 = arith.cmpi ne, %sign3A_256, %sign3A_263 : i32
            %rem3A_265 = arith.remsi %add3A_247, %jit3A_248 : i32
            %ne3A_266 = arith.constant 0 : i32
            %ne3A_267 = arith.cmpi ne, %rem3A_265, %ne3A_266 : i32
            %and3A_268 = arith.andi %ne3A_264, %ne3A_267 : i1
            %sub3A_269 = arith.constant 1 : i32
            %sub3A_270 = arith.subi %div3A_249, %sub3A_269 : i32
            %select_n3A_271 = arith.select %and3A_268, %sub3A_270, %div3A_249 : i32
            %mul3A_272 = arith.constant 16 : i32
            %mul3A_273 = arith.muli %select_n3A_271, %mul3A_272 : i32
            %sub3A_274 = arith.subi %add3A_247, %mul3A_273 : i32
            %mul3A_275 = arith.constant 8 : i32
            %mul3A_276 = arith.muli %select_n3A_271, %mul3A_275 : i32
            %multiple_of3A_277 = tpu.assume_multiple %mul3A_276, 8 : i32
            %mul3A_278 = arith.constant 512 : i32
            %mul3A_279 = arith.muli %sub3A_274, %mul3A_278 : i32
            %add3A_280 = arith.addi %mul3A_0, %mul3A_279 : i32
            %multiple_of3A_281 = tpu.assume_multiple %add3A_280, 512 : i32
            %dma_start3A_282 = arith.constant 0 : i32
            %dma_start3A_283 = arith.constant 0 : i32
            %dma_start3A_284 = tpu.memref_slice %run_scoped3A_14[%select_n3A_169, %dma_start3A_282, %dma_start3A_283] : memref<3x8x512xi32, #tpu.memory_space<vmem>> -> memref<1x8x512xi32, #tpu.memory_space<vmem>>
            %dma_start3A_285 = tpu.memref_squeeze %dma_start3A_284 : memref<1x8x512xi32, #tpu.memory_space<vmem>> -> memref<8x512xi32, #tpu.memory_space<vmem>>
            %dma_start3A_286 = tpu.memref_slice %arg2[%multiple_of3A_277, %multiple_of3A_281] : memref<200x16384xi32, #tpu.memory_space<hbm>> -> memref<8x512xi32, #tpu.memory_space<hbm>>
            %dma_start3A_287 = tpu.memref_slice %arg8[%select_n3A_169] : memref<3x!tpu.dma_semaphore, #tpu.memory_space<semaphore_mem>> -> memref<1x!tpu.dma_semaphore, #tpu.memory_space<semaphore_mem>>
            %dma_start3A_288 = tpu.memref_squeeze %dma_start3A_287 : memref<1x!tpu.dma_semaphore, #tpu.memory_space<semaphore_mem>> -> memref<!tpu.dma_semaphore, #tpu.memory_space<semaphore_mem>>
            %dma_start3A_289 = arith.constant 0 : i32
            %dma_start3A_290 = arith.constant 0 : i32
            %dma_start3A_291 = tpu.memref_slice %run_scoped3A_14[%select_n3A_169, %dma_start3A_289, %dma_start3A_290] : memref<3x8x512xi32, #tpu.memory_space<vmem>> -> memref<1x8x512xi32, #tpu.memory_space<vmem>>
            %dma_start3A_292 = tpu.memref_squeeze %dma_start3A_291 : memref<1x8x512xi32, #tpu.memory_space<vmem>> -> memref<8x512xi32, #tpu.memory_space<vmem>>
            %dma_start3A_293 = tpu.memref_slice %arg2[%multiple_of3A_277, %multiple_of3A_281] : memref<200x16384xi32, #tpu.memory_space<hbm>> -> memref<8x512xi32, #tpu.memory_space<hbm>>
            tpu.enqueue_dma source(%dma_start3A_293 : memref<8x512xi32, #tpu.memory_space<hbm>>) target(%dma_start3A_292 : memref<8x512xi32, #tpu.memory_space<vmem>>) target_semaphore(%dma_start3A_288 : memref<!tpu.dma_semaphore, #tpu.memory_space<semaphore_mem>>)
          } else {
          }
        }
        %scan3A_95 = arith.constant 400 : i32
        %dma_wait3A_96 = arith.constant 0 : i32
        %dma_wait3A_97 = arith.constant 0 : i32
        %dma_wait3A_98 = arith.constant 0 : i32
        %dma_wait3A_99 = arith.constant 0 : i32
        %dma_wait3A_100 = arith.constant 0 : i32
        %dma_wait3A_101 = tpu.memref_slice %run_scoped3A_15[%dma_wait3A_96, %dma_wait3A_99, %dma_wait3A_100] : memref<3x8x512xf32, #tpu.memory_space<vmem>> -> memref<1x8x512xf32, #tpu.memory_space<vmem>>
        %dma_wait3A_102 = tpu.memref_squeeze %dma_wait3A_101 : memref<1x8x512xf32, #tpu.memory_space<vmem>> -> memref<8x512xf32, #tpu.memory_space<vmem>>
        %dma_wait3A_103 = arith.constant 0 : i32
        %dma_wait3A_104 = arith.constant 0 : i32
        %dma_wait3A_105 = tpu.memref_slice %arg6[%dma_wait3A_103, %dma_wait3A_97, %dma_wait3A_104] : memref<200x16x16384xf32, #tpu.memory_space<hbm>> -> memref<8x1x512xf32, #tpu.memory_space<hbm>>
        %dma_wait3A_106 = tpu.memref_squeeze %dma_wait3A_105 : memref<8x1x512xf32, #tpu.memory_space<hbm>> -> memref<8x512xf32, #tpu.memory_space<hbm>>
        %dma_wait3A_107 = tpu.memref_slice %arg9[%dma_wait3A_98] : memref<3x!tpu.dma_semaphore, #tpu.memory_space<semaphore_mem>> -> memref<1x!tpu.dma_semaphore, #tpu.memory_space<semaphore_mem>>
        %dma_wait3A_108 = tpu.memref_squeeze %dma_wait3A_107 : memref<1x!tpu.dma_semaphore, #tpu.memory_space<semaphore_mem>> -> memref<!tpu.dma_semaphore, #tpu.memory_space<semaphore_mem>>
        %dma_wait3A_109 = arith.constant 0 : i32
        %dma_wait3A_110 = arith.constant 0 : i32
        %dma_wait3A_111 = tpu.memref_slice %arg6[%dma_wait3A_109, %dma_wait3A_97, %dma_wait3A_110] : memref<200x16x16384xf32, #tpu.memory_space<hbm>> -> memref<8x1x512xf32, #tpu.memory_space<hbm>>
        %dma_wait3A_112 = tpu.memref_squeeze %dma_wait3A_111 : memref<8x1x512xf32, #tpu.memory_space<hbm>> -> memref<8x512xf32, #tpu.memory_space<hbm>>
        %dma_wait3A_113 = arith.constant 0 : i32
        %dma_wait3A_114 = arith.constant 0 : i32
        %dma_wait3A_115 = tpu.memref_slice %run_scoped3A_15[%dma_wait3A_96, %dma_wait3A_113, %dma_wait3A_114] : memref<3x8x512xf32, #tpu.memory_space<vmem>> -> memref<1x8x512xf32, #tpu.memory_space<vmem>>
        %dma_wait3A_116 = tpu.memref_squeeze %dma_wait3A_115 : memref<1x8x512xf32, #tpu.memory_space<vmem>> -> memref<8x512xf32, #tpu.memory_space<vmem>>
        tpu.wait_dma2 semaphore(%dma_wait3A_108 : memref<!tpu.dma_semaphore, #tpu.memory_space<semaphore_mem>>) src(%dma_wait3A_116 : memref<8x512xf32, #tpu.memory_space<vmem>>) dst(%dma_wait3A_112 : memref<8x512xf32, #tpu.memory_space<hbm>>)
        %dma_wait3A_117 = arith.constant 1 : i32
        %dma_wait3A_118 = arith.constant 0 : i32
        %dma_wait3A_119 = arith.constant 1 : i32
        %dma_wait3A_120 = arith.constant 0 : i32
        %dma_wait3A_121 = arith.constant 0 : i32
        %dma_wait3A_122 = tpu.memref_slice %run_scoped3A_15[%dma_wait3A_117, %dma_wait3A_120, %dma_wait3A_121] : memref<3x8x512xf32, #tpu.memory_space<vmem>> -> memref<1x8x512xf32, #tpu.memory_space<vmem>>
        %dma_wait3A_123 = tpu.memref_squeeze %dma_wait3A_122 : memref<1x8x512xf32, #tpu.memory_space<vmem>> -> memref<8x512xf32, #tpu.memory_space<vmem>>
        %dma_wait3A_124 = arith.constant 0 : i32
        %dma_wait3A_125 = arith.constant 0 : i32
        %dma_wait3A_126 = tpu.memref_slice %arg6[%dma_wait3A_124, %dma_wait3A_118, %dma_wait3A_125] : memref<200x16x16384xf32, #tpu.memory_space<hbm>> -> memref<8x1x512xf32, #tpu.memory_space<hbm>>
        %dma_wait3A_127 = tpu.memref_squeeze %dma_wait3A_126 : memref<8x1x512xf32, #tpu.memory_space<hbm>> -> memref<8x512xf32, #tpu.memory_space<hbm>>
        %dma_wait3A_128 = tpu.memref_slice %arg9[%dma_wait3A_119] : memref<3x!tpu.dma_semaphore, #tpu.memory_space<semaphore_mem>> -> memref<1x!tpu.dma_semaphore, #tpu.memory_space<semaphore_mem>>
        %dma_wait3A_129 = tpu.memref_squeeze %dma_wait3A_128 : memref<1x!tpu.dma_semaphore, #tpu.memory_space<semaphore_mem>> -> memref<!tpu.dma_semaphore, #tpu.memory_space<semaphore_mem>>
        %dma_wait3A_130 = arith.constant 0 : i32
        %dma_wait3A_131 = arith.constant 0 : i32
        %dma_wait3A_132 = tpu.memref_slice %arg6[%dma_wait3A_130, %dma_wait3A_118, %dma_wait3A_131] : memref<200x16x16384xf32, #tpu.memory_space<hbm>> -> memref<8x1x512xf32, #tpu.memory_space<hbm>>
        %dma_wait3A_133 = tpu.memref_squeeze %dma_wait3A_132 : memref<8x1x512xf32, #tpu.memory_space<hbm>> -> memref<8x512xf32, #tpu.memory_space<hbm>>
        %dma_wait3A_134 = arith.constant 0 : i32
        %dma_wait3A_135 = arith.constant 0 : i32
        %dma_wait3A_136 = tpu.memref_slice %run_scoped3A_15[%dma_wait3A_117, %dma_wait3A_134, %dma_wait3A_135] : memref<3x8x512xf32, #tpu.memory_space<vmem>> -> memref<1x8x512xf32, #tpu.memory_space<vmem>>
        %dma_wait3A_137 = tpu.memref_squeeze %dma_wait3A_136 : memref<1x8x512xf32, #tpu.memory_space<vmem>> -> memref<8x512xf32, #tpu.memory_space<vmem>>
        tpu.wait_dma2 semaphore(%dma_wait3A_129 : memref<!tpu.dma_semaphore, #tpu.memory_space<semaphore_mem>>) src(%dma_wait3A_137 : memref<8x512xf32, #tpu.memory_space<vmem>>) dst(%dma_wait3A_133 : memref<8x512xf32, #tpu.memory_space<hbm>>)
        %dma_wait3A_138 = arith.constant 2 : i32
        %dma_wait3A_139 = arith.constant 0 : i32
        %dma_wait3A_140 = arith.constant 2 : i32
        %dma_wait3A_141 = arith.constant 0 : i32
        %dma_wait3A_142 = arith.constant 0 : i32
        %dma_wait3A_143 = tpu.memref_slice %run_scoped3A_15[%dma_wait3A_138, %dma_wait3A_141, %dma_wait3A_142] : memref<3x8x512xf32, #tpu.memory_space<vmem>> -> memref<1x8x512xf32, #tpu.memory_space<vmem>>
        %dma_wait3A_144 = tpu.memref_squeeze %dma_wait3A_143 : memref<1x8x512xf32, #tpu.memory_space<vmem>> -> memref<8x512xf32, #tpu.memory_space<vmem>>
        %dma_wait3A_145 = arith.constant 0 : i32
        %dma_wait3A_146 = arith.constant 0 : i32
        %dma_wait3A_147 = tpu.memref_slice %arg6[%dma_wait3A_145, %dma_wait3A_139, %dma_wait3A_146] : memref<200x16x16384xf32, #tpu.memory_space<hbm>> -> memref<8x1x512xf32, #tpu.memory_space<hbm>>
        %dma_wait3A_148 = tpu.memref_squeeze %dma_wait3A_147 : memref<8x1x512xf32, #tpu.memory_space<hbm>> -> memref<8x512xf32, #tpu.memory_space<hbm>>
        %dma_wait3A_149 = tpu.memref_slice %arg9[%dma_wait3A_140] : memref<3x!tpu.dma_semaphore, #tpu.memory_space<semaphore_mem>> -> memref<1x!tpu.dma_semaphore, #tpu.memory_space<semaphore_mem>>
        %dma_wait3A_150 = tpu.memref_squeeze %dma_wait3A_149 : memref<1x!tpu.dma_semaphore, #tpu.memory_space<semaphore_mem>> -> memref<!tpu.dma_semaphore, #tpu.memory_space<semaphore_mem>>
        %dma_wait3A_151 = arith.constant 0 : i32
        %dma_wait3A_152 = arith.constant 0 : i32
        %dma_wait3A_153 = tpu.memref_slice %arg6[%dma_wait3A_151, %dma_wait3A_139, %dma_wait3A_152] : memref<200x16x16384xf32, #tpu.memory_space<hbm>> -> memref<8x1x512xf32, #tpu.memory_space<hbm>>
        %dma_wait3A_154 = tpu.memref_squeeze %dma_wait3A_153 : memref<8x1x512xf32, #tpu.memory_space<hbm>> -> memref<8x512xf32, #tpu.memory_space<hbm>>
        %dma_wait3A_155 = arith.constant 0 : i32
        %dma_wait3A_156 = arith.constant 0 : i32
        %dma_wait3A_157 = tpu.memref_slice %run_scoped3A_15[%dma_wait3A_138, %dma_wait3A_155, %dma_wait3A_156] : memref<3x8x512xf32, #tpu.memory_space<vmem>> -> memref<1x8x512xf32, #tpu.memory_space<vmem>>
        %dma_wait3A_158 = tpu.memref_squeeze %dma_wait3A_157 : memref<1x8x512xf32, #tpu.memory_space<vmem>> -> memref<8x512xf32, #tpu.memory_space<vmem>>
        tpu.wait_dma2 semaphore(%dma_wait3A_150 : memref<!tpu.dma_semaphore, #tpu.memory_space<semaphore_mem>>) src(%dma_wait3A_158 : memref<8x512xf32, #tpu.memory_space<vmem>>) dst(%dma_wait3A_154 : memref<8x512xf32, #tpu.memory_space<hbm>>)
        tpu.yield
      }) : () -> ()
    } else {
    }
    %lt3A = arith.constant 6 : i32
    %lt3A_10 = arith.cmpi slt, %arg1, %lt3A : i32
    %convert_element_type3A_11 = arith.extui %lt3A_10 : i1 to i32
    %cond3A_12 = arith.constant 0 : i32
    %cond3A_13 = arith.cmpi ne, %convert_element_type3A_11, %cond3A_12 : i32
    scf.if %cond3A_13 {
      %jit3A = arith.constant 3 : i32
      %eq3A = arith.constant 0 : i32
      %eq3A_14 = arith.cmpi eq, %jit3A, %eq3A : i32
      %jit3A_15 = arith.constant 1 : i32
      %select_n3A = arith.select %eq3A_14, %jit3A_15, %jit3A : i32
      %rem3A = arith.remsi %arg1, %select_n3A : i32
      %ne3A = arith.constant 0 : i32
      %ne3A_16 = arith.cmpi ne, %rem3A, %ne3A : i32
      %lt3A_17 = arith.constant 0 : i32
      %lt3A_18 = arith.cmpi slt, %rem3A, %lt3A_17 : i32
      %lt3A_19 = arith.constant 0 : i32
      %lt3A_20 = arith.cmpi slt, %select_n3A, %lt3A_19 : i32
      %ne3A_21 = arith.xori %lt3A_18, %lt3A_20 : i1
      %and3A = arith.andi %ne3A_21, %ne3A_16 : i1
      %add3A_22 = arith.addi %rem3A, %select_n3A : i32
      %select_n3A_23 = arith.select %and3A, %add3A_22, %rem3A : i32
      %mul3A_24 = arith.constant 2 : i32
      %mul3A_25 = arith.muli %select_n3A_23, %mul3A_24 : i32
      %jit3A_26 = arith.constant 3 : i32
      %div3A = arith.divsi %arg1, %jit3A_26 : i32
      %sign3A = arith.constant 0 : i32
      %sign3A_27 = arith.cmpi sgt, %arg1, %sign3A : i32
      %sign3A_28 = arith.extui %sign3A_27 : i1 to i32
      %sign3A_29 = arith.constant 0 : i32
      %sign3A_30 = arith.cmpi slt, %arg1, %sign3A_29 : i32
      %sign3A_31 = arith.extui %sign3A_30 : i1 to i32
      %sign3A_32 = arith.subi %sign3A_28, %sign3A_31 : i32
      %sign3A_33 = arith.constant 0 : i32
      %sign3A_34 = arith.cmpi sgt, %jit3A_26, %sign3A_33 : i32
      %sign3A_35 = arith.extui %sign3A_34 : i1 to i32
      %sign3A_36 = arith.constant 0 : i32
      %sign3A_37 = arith.cmpi slt, %jit3A_26, %sign3A_36 : i32
      %sign3A_38 = arith.extui %sign3A_37 : i1 to i32
      %sign3A_39 = arith.subi %sign3A_35, %sign3A_38 : i32
      %ne3A_40 = arith.cmpi ne, %sign3A_32, %sign3A_39 : i32
      %rem3A_41 = arith.remsi %arg1, %jit3A_26 : i32
      %ne3A_42 = arith.constant 0 : i32
      %ne3A_43 = arith.cmpi ne, %rem3A_41, %ne3A_42 : i32
      %and3A_44 = arith.andi %ne3A_40, %ne3A_43 : i1
      %sub3A = arith.constant 1 : i32
      %sub3A_45 = arith.subi %div3A, %sub3A : i32
      %select_n3A_46 = arith.select %and3A_44, %sub3A_45, %div3A : i32
      %mul3A_47 = arith.constant 4096 : i32
      %mul3A_48 = arith.muli %select_n3A_46, %mul3A_47 : i32
      %add3A_49 = arith.addi %mul3A_0, %mul3A_48 : i32
      %broadcast_in_dim3A_50 = vector.broadcast %mul3A_25 : i32 to vector<16xi32>
      %gather3A_51 = tpu.vector_load_idx %arg7[%broadcast_in_dim3A_50] : memref<48xf32, #tpu.memory_space<vmem>>[vector<16xi32>], vector<16xf32>,
      %add3A_52 = arith.constant 1 : i32
      %add3A_53 = arith.addi %mul3A_25, %add3A_52 : i32
      %broadcast_in_dim3A_54 = vector.broadcast %add3A_53 : i32 to vector<16xi32>
      %gather3A_55 = tpu.vector_load_idx %arg7[%broadcast_in_dim3A_54] : memref<48xf32, #tpu.memory_space<vmem>>[vector<16xi32>], vector<16xf32>,
      %add3A_56 = arith.constant 16 : i32
      %add3A_57 = arith.addi %add3A_56, %mul3A_25 : i32
      %broadcast_in_dim3A_58 = vector.broadcast %add3A_57 : i32 to vector<16xi32>
      %gather3A_59 = tpu.vector_load_idx %arg7[%broadcast_in_dim3A_58] : memref<48xf32, #tpu.memory_space<vmem>>[vector<16xi32>], vector<16xf32>,
      %add3A_60 = arith.constant 16 : i32
      %add3A_61 = arith.addi %add3A_60, %mul3A_25 : i32
      %add3A_62 = arith.constant 1 : i32
      %add3A_63 = arith.addi %add3A_61, %add3A_62 : i32
      %broadcast_in_dim3A_64 = vector.broadcast %add3A_63 : i32 to vector<16xi32>
      %gather3A_65 = tpu.vector_load_idx %arg7[%broadcast_in_dim3A_64] : memref<48xf32, #tpu.memory_space<vmem>>[vector<16xi32>], vector<16xf32>,
      %add3A_66 = arith.constant 32 : i32
      %add3A_67 = arith.addi %add3A_66, %mul3A_25 : i32
      %broadcast_in_dim3A_68 = vector.broadcast %add3A_67 : i32 to vector<16xi32>
      %gather3A_69 = tpu.vector_load_idx %arg7[%broadcast_in_dim3A_68] : memref<48xf32, #tpu.memory_space<vmem>>[vector<16xi32>], vector<16xf32>,
      %add3A_70 = arith.constant 32 : i32
      %add3A_71 = arith.addi %add3A_70, %mul3A_25 : i32
      %add3A_72 = arith.constant 1 : i32
      %add3A_73 = arith.addi %add3A_71, %add3A_72 : i32
      %broadcast_in_dim3A_74 = vector.broadcast %add3A_73 : i32 to vector<16xi32>
      %gather3A_75 = tpu.vector_load_idx %arg7[%broadcast_in_dim3A_74] : memref<48xf32, #tpu.memory_space<vmem>>[vector<16xi32>], vector<16xf32>,
      "tpu.region"() ({
        %run_scoped3A = memref.alloca() : memref<3x8x2x512xf32, #tpu.memory_space<vmem>>
        %run_scoped3A_76 = memref.alloca() : memref<3x2x8x512xf32, #tpu.memory_space<vmem>>
        %multiple_of3A = arith.constant 0 : i32
        %multiple_of3A_77 = tpu.assume_multiple %multiple_of3A, 8 : i32
        %add3A_78 = arith.constant 0 : i32
        %add3A_79 = arith.addi %add3A_49, %add3A_78 : i32
        %multiple_of3A_80 = tpu.assume_multiple %add3A_79, 512 : i32
        %dma_start3A = arith.constant 0 : i32
        %dma_start3A_81 = arith.constant 0 : i32
        %dma_start3A_82 = arith.constant 0 : i32
        %dma_start3A_83 = arith.constant 0 : i32
        %dma_start3A_84 = arith.constant 0 : i32
        %dma_start3A_85 = tpu.memref_slice %run_scoped3A[%dma_start3A, %dma_start3A_82, %dma_start3A_83, %dma_start3A_84] : memref<3x8x2x512xf32, #tpu.memory_space<vmem>> -> memref<1x8x2x512xf32, #tpu.memory_space<vmem>>
        %dma_start3A_86 = tpu.memref_squeeze %dma_start3A_85 : memref<1x8x2x512xf32, #tpu.memory_space<vmem>> -> memref<8x2x512xf32, #tpu.memory_space<vmem>>
        %dma_start3A_87 = arith.constant 0 : i32
        %dma_start3A_88 = tpu.memref_slice %arg3[%multiple_of3A_77, %dma_start3A_87, %multiple_of3A_80] : memref<200x2x16384xf32, #tpu.memory_space<hbm>> -> memref<8x2x512xf32, #tpu.memory_space<hbm>>
        %dma_start3A_89 = tpu.memref_slice %arg8[%dma_start3A_81] : memref<3x!tpu.dma_semaphore, #tpu.memory_space<semaphore_mem>> -> memref<1x!tpu.dma_semaphore, #tpu.memory_space<semaphore_mem>>
        %dma_start3A_90 = tpu.memref_squeeze %dma_start3A_89 : memref<1x!tpu.dma_semaphore, #tpu.memory_space<semaphore_mem>> -> memref<!tpu.dma_semaphore, #tpu.memory_space<semaphore_mem>>
        %dma_start3A_91 = arith.constant 0 : i32
        %dma_start3A_92 = arith.constant 0 : i32
        %dma_start3A_93 = arith.constant 0 : i32
        %dma_start3A_94 = tpu.memref_slice %run_scoped3A[%dma_start3A, %dma_start3A_91, %dma_start3A_92, %dma_start3A_93] : memref<3x8x2x512xf32, #tpu.memory_space<vmem>> -> memref<1x8x2x512xf32, #tpu.memory_space<vmem>>
        %dma_start3A_95 = tpu.memref_squeeze %dma_start3A_94 : memref<1x8x2x512xf32, #tpu.memory_space<vmem>> -> memref<8x2x512xf32, #tpu.memory_space<vmem>>
        %dma_start3A_96 = arith.constant 0 : i32
        %dma_start3A_97 = tpu.memref_slice %arg3[%multiple_of3A_77, %dma_start3A_96, %multiple_of3A_80] : memref<200x2x16384xf32, #tpu.memory_space<hbm>> -> memref<8x2x512xf32, #tpu.memory_space<hbm>>
        tpu.enqueue_dma source(%dma_start3A_97 : memref<8x2x512xf32, #tpu.memory_space<hbm>>) target(%dma_start3A_95 : memref<8x2x512xf32, #tpu.memory_space<vmem>>) target_semaphore(%dma_start3A_90 : memref<!tpu.dma_semaphore, #tpu.memory_space<semaphore_mem>>)
        %multiple_of3A_98 = arith.constant 0 : i32
        %multiple_of3A_99 = tpu.assume_multiple %multiple_of3A_98, 8 : i32
        %add3A_100 = arith.constant 512 : i32
        %add3A_101 = arith.addi %add3A_49, %add3A_100 : i32
        %multiple_of3A_102 = tpu.assume_multiple %add3A_101, 512 : i32
        %dma_start3A_103 = arith.constant 1 : i32
        %dma_start3A_104 = arith.constant 1 : i32
        %dma_start3A_105 = arith.constant 0 : i32
        %dma_start3A_106 = arith.constant 0 : i32
        %dma_start3A_107 = arith.constant 0 : i32
        %dma_start3A_108 = tpu.memref_slice %run_scoped3A[%dma_start3A_103, %dma_start3A_105, %dma_start3A_106, %dma_start3A_107] : memref<3x8x2x512xf32, #tpu.memory_space<vmem>> -> memref<1x8x2x512xf32, #tpu.memory_space<vmem>>
        %dma_start3A_109 = tpu.memref_squeeze %dma_start3A_108 : memref<1x8x2x512xf32, #tpu.memory_space<vmem>> -> memref<8x2x512xf32, #tpu.memory_space<vmem>>
        %dma_start3A_110 = arith.constant 0 : i32
        %dma_start3A_111 = tpu.memref_slice %arg3[%multiple_of3A_99, %dma_start3A_110, %multiple_of3A_102] : memref<200x2x16384xf32, #tpu.memory_space<hbm>> -> memref<8x2x512xf32, #tpu.memory_space<hbm>>
        %dma_start3A_112 = tpu.memref_slice %arg8[%dma_start3A_104] : memref<3x!tpu.dma_semaphore, #tpu.memory_space<semaphore_mem>> -> memref<1x!tpu.dma_semaphore, #tpu.memory_space<semaphore_mem>>
        %dma_start3A_113 = tpu.memref_squeeze %dma_start3A_112 : memref<1x!tpu.dma_semaphore, #tpu.memory_space<semaphore_mem>> -> memref<!tpu.dma_semaphore, #tpu.memory_space<semaphore_mem>>
        %dma_start3A_114 = arith.constant 0 : i32
        %dma_start3A_115 = arith.constant 0 : i32
        %dma_start3A_116 = arith.constant 0 : i32
        %dma_start3A_117 = tpu.memref_slice %run_scoped3A[%dma_start3A_103, %dma_start3A_114, %dma_start3A_115, %dma_start3A_116] : memref<3x8x2x512xf32, #tpu.memory_space<vmem>> -> memref<1x8x2x512xf32, #tpu.memory_space<vmem>>
        %dma_start3A_118 = tpu.memref_squeeze %dma_start3A_117 : memref<1x8x2x512xf32, #tpu.memory_space<vmem>> -> memref<8x2x512xf32, #tpu.memory_space<vmem>>
        %dma_start3A_119 = arith.constant 0 : i32
        %dma_start3A_120 = tpu.memref_slice %arg3[%multiple_of3A_99, %dma_start3A_119, %multiple_of3A_102] : memref<200x2x16384xf32, #tpu.memory_space<hbm>> -> memref<8x2x512xf32, #tpu.memory_space<hbm>>
        tpu.enqueue_dma source(%dma_start3A_120 : memref<8x2x512xf32, #tpu.memory_space<hbm>>) target(%dma_start3A_118 : memref<8x2x512xf32, #tpu.memory_space<vmem>>) target_semaphore(%dma_start3A_113 : memref<!tpu.dma_semaphore, #tpu.memory_space<semaphore_mem>>)
        %multiple_of3A_121 = arith.constant 0 : i32
        %multiple_of3A_122 = tpu.assume_multiple %multiple_of3A_121, 8 : i32
        %add3A_123 = arith.constant 1024 : i32
        %add3A_124 = arith.addi %add3A_49, %add3A_123 : i32
        %multiple_of3A_125 = tpu.assume_multiple %add3A_124, 512 : i32
        %dma_start3A_126 = arith.constant 2 : i32
        %dma_start3A_127 = arith.constant 2 : i32
        %dma_start3A_128 = arith.constant 0 : i32
        %dma_start3A_129 = arith.constant 0 : i32
        %dma_start3A_130 = arith.constant 0 : i32
        %dma_start3A_131 = tpu.memref_slice %run_scoped3A[%dma_start3A_126, %dma_start3A_128, %dma_start3A_129, %dma_start3A_130] : memref<3x8x2x512xf32, #tpu.memory_space<vmem>> -> memref<1x8x2x512xf32, #tpu.memory_space<vmem>>
        %dma_start3A_132 = tpu.memref_squeeze %dma_start3A_131 : memref<1x8x2x512xf32, #tpu.memory_space<vmem>> -> memref<8x2x512xf32, #tpu.memory_space<vmem>>
        %dma_start3A_133 = arith.constant 0 : i32
        %dma_start3A_134 = tpu.memref_slice %arg3[%multiple_of3A_122, %dma_start3A_133, %multiple_of3A_125] : memref<200x2x16384xf32, #tpu.memory_space<hbm>> -> memref<8x2x512xf32, #tpu.memory_space<hbm>>
        %dma_start3A_135 = tpu.memref_slice %arg8[%dma_start3A_127] : memref<3x!tpu.dma_semaphore, #tpu.memory_space<semaphore_mem>> -> memref<1x!tpu.dma_semaphore, #tpu.memory_space<semaphore_mem>>
        %dma_start3A_136 = tpu.memref_squeeze %dma_start3A_135 : memref<1x!tpu.dma_semaphore, #tpu.memory_space<semaphore_mem>> -> memref<!tpu.dma_semaphore, #tpu.memory_space<semaphore_mem>>
        %dma_start3A_137 = arith.constant 0 : i32
        %dma_start3A_138 = arith.constant 0 : i32
        %dma_start3A_139 = arith.constant 0 : i32
        %dma_start3A_140 = tpu.memref_slice %run_scoped3A[%dma_start3A_126, %dma_start3A_137, %dma_start3A_138, %dma_start3A_139] : memref<3x8x2x512xf32, #tpu.memory_space<vmem>> -> memref<1x8x2x512xf32, #tpu.memory_space<vmem>>
        %dma_start3A_141 = tpu.memref_squeeze %dma_start3A_140 : memref<1x8x2x512xf32, #tpu.memory_space<vmem>> -> memref<8x2x512xf32, #tpu.memory_space<vmem>>
        %dma_start3A_142 = arith.constant 0 : i32
        %dma_start3A_143 = tpu.memref_slice %arg3[%multiple_of3A_122, %dma_start3A_142, %multiple_of3A_125] : memref<200x2x16384xf32, #tpu.memory_space<hbm>> -> memref<8x2x512xf32, #tpu.memory_space<hbm>>
        tpu.enqueue_dma source(%dma_start3A_143 : memref<8x2x512xf32, #tpu.memory_space<hbm>>) target(%dma_start3A_141 : memref<8x2x512xf32, #tpu.memory_space<vmem>>) target_semaphore(%dma_start3A_136 : memref<!tpu.dma_semaphore, #tpu.memory_space<semaphore_mem>>)
        %scan3A = arith.constant 0 : i32
        %scan3A_144 = arith.constant 0 : i32
        %scan3A_145 = arith.constant 200 : i32
        %scan3A_146 = arith.addi %scan3A_144, %scan3A_145 : i32
        %scan3A_147 = arith.constant 1 : i32
        scf.for %scan3A_280 = %scan3A_144 to %scan3A_146 step %scan3A_147  : i32 {
          %jit3A_281 = arith.constant 3 : i32
          %eq3A_282 = arith.constant 0 : i32
          %eq3A_283 = arith.cmpi eq, %jit3A_281, %eq3A_282 : i32
          %jit3A_284 = arith.constant 1 : i32
          %select_n3A_285 = arith.select %eq3A_283, %jit3A_284, %jit3A_281 : i32
          %rem3A_286 = arith.remsi %scan3A_280, %select_n3A_285 : i32
          %ne3A_287 = arith.constant 0 : i32
          %ne3A_288 = arith.cmpi ne, %rem3A_286, %ne3A_287 : i32
          %lt3A_289 = arith.constant 0 : i32
          %lt3A_290 = arith.cmpi slt, %rem3A_286, %lt3A_289 : i32
          %lt3A_291 = arith.constant 0 : i32
          %lt3A_292 = arith.cmpi slt, %select_n3A_285, %lt3A_291 : i32
          %ne3A_293 = arith.xori %lt3A_290, %lt3A_292 : i1
          %and3A_294 = arith.andi %ne3A_293, %ne3A_288 : i1
          %add3A_295 = arith.addi %rem3A_286, %select_n3A_285 : i32
          %select_n3A_296 = arith.select %and3A_294, %add3A_295, %rem3A_286 : i32
          %dma_wait3A_297 = arith.constant 0 : i32
          %dma_wait3A_298 = arith.constant 0 : i32
          %dma_wait3A_299 = arith.constant 0 : i32
          %dma_wait3A_300 = tpu.memref_slice %run_scoped3A[%select_n3A_296, %dma_wait3A_297, %dma_wait3A_298, %dma_wait3A_299] : memref<3x8x2x512xf32, #tpu.memory_space<vmem>> -> memref<1x8x2x512xf32, #tpu.memory_space<vmem>>
          %dma_wait3A_301 = tpu.memref_squeeze %dma_wait3A_300 : memref<1x8x2x512xf32, #tpu.memory_space<vmem>> -> memref<8x2x512xf32, #tpu.memory_space<vmem>>
          %dma_wait3A_302 = arith.constant 0 : i32
          %dma_wait3A_303 = arith.constant 0 : i32
          %dma_wait3A_304 = arith.constant 0 : i32
          %dma_wait3A_305 = tpu.memref_slice %arg3[%dma_wait3A_302, %dma_wait3A_303, %dma_wait3A_304] : memref<200x2x16384xf32, #tpu.memory_space<hbm>> -> memref<8x2x512xf32, #tpu.memory_space<hbm>>
          %dma_wait3A_306 = tpu.memref_slice %arg8[%select_n3A_296] : memref<3x!tpu.dma_semaphore, #tpu.memory_space<semaphore_mem>> -> memref<1x!tpu.dma_semaphore, #tpu.memory_space<semaphore_mem>>
          %dma_wait3A_307 = tpu.memref_squeeze %dma_wait3A_306 : memref<1x!tpu.dma_semaphore, #tpu.memory_space<semaphore_mem>> -> memref<!tpu.dma_semaphore, #tpu.memory_space<semaphore_mem>>
          %dma_wait3A_308 = arith.constant 0 : i32
          %dma_wait3A_309 = arith.constant 0 : i32
          %dma_wait3A_310 = arith.constant 0 : i32
          %dma_wait3A_311 = tpu.memref_slice %run_scoped3A[%select_n3A_296, %dma_wait3A_308, %dma_wait3A_309, %dma_wait3A_310] : memref<3x8x2x512xf32, #tpu.memory_space<vmem>> -> memref<1x8x2x512xf32, #tpu.memory_space<vmem>>
          %dma_wait3A_312 = tpu.memref_squeeze %dma_wait3A_311 : memref<1x8x2x512xf32, #tpu.memory_space<vmem>> -> memref<8x2x512xf32, #tpu.memory_space<vmem>>
          %dma_wait3A_313 = arith.constant 0 : i32
          %dma_wait3A_314 = arith.constant 0 : i32
          %dma_wait3A_315 = arith.constant 0 : i32
          %dma_wait3A_316 = tpu.memref_slice %arg3[%dma_wait3A_313, %dma_wait3A_314, %dma_wait3A_315] : memref<200x2x16384xf32, #tpu.memory_space<hbm>> -> memref<8x2x512xf32, #tpu.memory_space<hbm>>
          tpu.wait_dma2 semaphore(%dma_wait3A_307 : memref<!tpu.dma_semaphore, #tpu.memory_space<semaphore_mem>>) src(%dma_wait3A_316 : memref<8x2x512xf32, #tpu.memory_space<hbm>>) dst(%dma_wait3A_312 : memref<8x2x512xf32, #tpu.memory_space<vmem>>)
          %ge3A_317 = arith.constant 3 : i32
          %ge3A_318 = arith.cmpi sge, %scan3A_280, %ge3A_317 : i32
          %convert_element_type3A_319 = arith.extui %ge3A_318 : i1 to i32
          %cond3A_320 = arith.constant 0 : i32
          %cond3A_321 = arith.cmpi ne, %convert_element_type3A_319, %cond3A_320 : i32
          scf.if %cond3A_321 {
            %dma_wait3A_399 = arith.constant 0 : i32
            %dma_wait3A_400 = arith.constant 0 : i32
            %dma_wait3A_401 = arith.constant 0 : i32
            %dma_wait3A_402 = arith.constant 0 : i32
            %dma_wait3A_403 = tpu.memref_slice %run_scoped3A_76[%select_n3A_296, %dma_wait3A_399, %dma_wait3A_401, %dma_wait3A_402] : memref<3x2x8x512xf32, #tpu.memory_space<vmem>> -> memref<1x1x8x512xf32, #tpu.memory_space<vmem>>
            %dma_wait3A_404 = tpu.memref_squeeze %dma_wait3A_403 : memref<1x1x8x512xf32, #tpu.memory_space<vmem>> -> memref<8x512xf32, #tpu.memory_space<vmem>>
            %dma_wait3A_405 = arith.constant 0 : i32
            %dma_wait3A_406 = arith.constant 0 : i32
            %dma_wait3A_407 = tpu.memref_slice %arg6[%dma_wait3A_405, %dma_wait3A_400, %dma_wait3A_406] : memref<200x16x16384xf32, #tpu.memory_space<hbm>> -> memref<8x1x512xf32, #tpu.memory_space<hbm>>
            %dma_wait3A_408 = tpu.memref_squeeze %dma_wait3A_407 : memref<8x1x512xf32, #tpu.memory_space<hbm>> -> memref<8x512xf32, #tpu.memory_space<hbm>>
            %dma_wait3A_409 = tpu.memref_slice %arg9[%select_n3A_296] : memref<3x!tpu.dma_semaphore, #tpu.memory_space<semaphore_mem>> -> memref<1x!tpu.dma_semaphore, #tpu.memory_space<semaphore_mem>>
            %dma_wait3A_410 = tpu.memref_squeeze %dma_wait3A_409 : memref<1x!tpu.dma_semaphore, #tpu.memory_space<semaphore_mem>> -> memref<!tpu.dma_semaphore, #tpu.memory_space<semaphore_mem>>
            %dma_wait3A_411 = arith.constant 0 : i32
            %dma_wait3A_412 = arith.constant 0 : i32
            %dma_wait3A_413 = tpu.memref_slice %arg6[%dma_wait3A_411, %dma_wait3A_400, %dma_wait3A_412] : memref<200x16x16384xf32, #tpu.memory_space<hbm>> -> memref<8x1x512xf32, #tpu.memory_space<hbm>>
            %dma_wait3A_414 = tpu.memref_squeeze %dma_wait3A_413 : memref<8x1x512xf32, #tpu.memory_space<hbm>> -> memref<8x512xf32, #tpu.memory_space<hbm>>
            %dma_wait3A_415 = arith.constant 0 : i32
            %dma_wait3A_416 = arith.constant 0 : i32
            %dma_wait3A_417 = tpu.memref_slice %run_scoped3A_76[%select_n3A_296, %dma_wait3A_399, %dma_wait3A_415, %dma_wait3A_416] : memref<3x2x8x512xf32, #tpu.memory_space<vmem>> -> memref<1x1x8x512xf32, #tpu.memory_space<vmem>>
            %dma_wait3A_418 = tpu.memref_squeeze %dma_wait3A_417 : memref<1x1x8x512xf32, #tpu.memory_space<vmem>> -> memref<8x512xf32, #tpu.memory_space<vmem>>
            tpu.wait_dma2 semaphore(%dma_wait3A_410 : memref<!tpu.dma_semaphore, #tpu.memory_space<semaphore_mem>>) src(%dma_wait3A_418 : memref<8x512xf32, #tpu.memory_space<vmem>>) dst(%dma_wait3A_414 : memref<8x512xf32, #tpu.memory_space<hbm>>)
            %dma_wait3A_419 = arith.constant 1 : i32
            %dma_wait3A_420 = arith.constant 0 : i32
            %dma_wait3A_421 = arith.constant 0 : i32
            %dma_wait3A_422 = arith.constant 0 : i32
            %dma_wait3A_423 = tpu.memref_slice %run_scoped3A_76[%select_n3A_296, %dma_wait3A_419, %dma_wait3A_421, %dma_wait3A_422] : memref<3x2x8x512xf32, #tpu.memory_space<vmem>> -> memref<1x1x8x512xf32, #tpu.memory_space<vmem>>
            %dma_wait3A_424 = tpu.memref_squeeze %dma_wait3A_423 : memref<1x1x8x512xf32, #tpu.memory_space<vmem>> -> memref<8x512xf32, #tpu.memory_space<vmem>>
            %dma_wait3A_425 = arith.constant 0 : i32
            %dma_wait3A_426 = arith.constant 0 : i32
            %dma_wait3A_427 = tpu.memref_slice %arg6[%dma_wait3A_425, %dma_wait3A_420, %dma_wait3A_426] : memref<200x16x16384xf32, #tpu.memory_space<hbm>> -> memref<8x1x512xf32, #tpu.memory_space<hbm>>
            %dma_wait3A_428 = tpu.memref_squeeze %dma_wait3A_427 : memref<8x1x512xf32, #tpu.memory_space<hbm>> -> memref<8x512xf32, #tpu.memory_space<hbm>>
            %dma_wait3A_429 = tpu.memref_slice %arg9[%select_n3A_296] : memref<3x!tpu.dma_semaphore, #tpu.memory_space<semaphore_mem>> -> memref<1x!tpu.dma_semaphore, #tpu.memory_space<semaphore_mem>>
            %dma_wait3A_430 = tpu.memref_squeeze %dma_wait3A_429 : memref<1x!tpu.dma_semaphore, #tpu.memory_space<semaphore_mem>> -> memref<!tpu.dma_semaphore, #tpu.memory_space<semaphore_mem>>
            %dma_wait3A_431 = arith.constant 0 : i32
            %dma_wait3A_432 = arith.constant 0 : i32
            %dma_wait3A_433 = tpu.memref_slice %arg6[%dma_wait3A_431, %dma_wait3A_420, %dma_wait3A_432] : memref<200x16x16384xf32, #tpu.memory_space<hbm>> -> memref<8x1x512xf32, #tpu.memory_space<hbm>>
            %dma_wait3A_434 = tpu.memref_squeeze %dma_wait3A_433 : memref<8x1x512xf32, #tpu.memory_space<hbm>> -> memref<8x512xf32, #tpu.memory_space<hbm>>
            %dma_wait3A_435 = arith.constant 0 : i32
            %dma_wait3A_436 = arith.constant 0 : i32
            %dma_wait3A_437 = tpu.memref_slice %run_scoped3A_76[%select_n3A_296, %dma_wait3A_419, %dma_wait3A_435, %dma_wait3A_436] : memref<3x2x8x512xf32, #tpu.memory_space<vmem>> -> memref<1x1x8x512xf32, #tpu.memory_space<vmem>>
            %dma_wait3A_438 = tpu.memref_squeeze %dma_wait3A_437 : memref<1x1x8x512xf32, #tpu.memory_space<vmem>> -> memref<8x512xf32, #tpu.memory_space<vmem>>
            tpu.wait_dma2 semaphore(%dma_wait3A_430 : memref<!tpu.dma_semaphore, #tpu.memory_space<semaphore_mem>>) src(%dma_wait3A_438 : memref<8x512xf32, #tpu.memory_space<vmem>>) dst(%dma_wait3A_434 : memref<8x512xf32, #tpu.memory_space<hbm>>)
          } else {
          }
          %parallel_loop3A = arith.constant 0 : i32
          %parallel_loop3A_322 = arith.constant 256 : i32
          %parallel_loop3A_323 = arith.constant 1 : i32
          scf.for %parallel_loop3A_399 = %parallel_loop3A to %parallel_loop3A_322 step %parallel_loop3A_323  : i32 {
            %parallel_loop3A_400 = arith.constant 5 : i32
            %parallel_loop3A_401 = arith.shrui %parallel_loop3A_399, %parallel_loop3A_400 : i32
            %parallel_loop3A_402 = arith.constant 31 : i32
            %parallel_loop3A_403 = arith.andi %parallel_loop3A_399, %parallel_loop3A_402 : i32
            %parallel_loop3A_404 = arith.constant 16 : i32
            %parallel_loop3A_405 = arith.muli %parallel_loop3A_403, %parallel_loop3A_404 : i32
            %parallel_loop3A_406 = arith.constant 0 : i32
            %parallel_loop3A_407 = arith.index_cast %select_n3A_296 : i32 to index
            %parallel_loop3A_408 = arith.index_cast %parallel_loop3A_401 : i32 to index
            %parallel_loop3A_409 = arith.index_cast %parallel_loop3A_406 : i32 to index
            %parallel_loop3A_410 = arith.index_cast %parallel_loop3A_405 : i32 to index
            %parallel_loop3A_411 = tpu.vector_load %run_scoped3A[%parallel_loop3A_407, %parallel_loop3A_408, %parallel_loop3A_409, %parallel_loop3A_410] {strides = array<i32>} : memref<3x8x2x512xf32, #tpu.memory_space<vmem>>, vector<16xf32>,
            %parallel_loop3A_412 = arith.constant 16 : i32
            %parallel_loop3A_413 = arith.muli %parallel_loop3A_403, %parallel_loop3A_412 : i32
            %parallel_loop3A_414 = arith.constant 1 : i32
            %parallel_loop3A_415 = arith.index_cast %select_n3A_296 : i32 to index
            %parallel_loop3A_416 = arith.index_cast %parallel_loop3A_401 : i32 to index
            %parallel_loop3A_417 = arith.index_cast %parallel_loop3A_414 : i32 to index
            %parallel_loop3A_418 = arith.index_cast %parallel_loop3A_413 : i32 to index
            %parallel_loop3A_419 = tpu.vector_load %run_scoped3A[%parallel_loop3A_415, %parallel_loop3A_416, %parallel_loop3A_417, %parallel_loop3A_418] {strides = array<i32>} : memref<3x8x2x512xf32, #tpu.memory_space<vmem>>, vector<16xf32>,
            %parallel_loop3A_420 = arith.mulf %parallel_loop3A_411, %gather3A_51 : vector<16xf32>
            %parallel_loop3A_421 = arith.mulf %parallel_loop3A_419, %gather3A_59 : vector<16xf32>
            %parallel_loop3A_422 = arith.addf %parallel_loop3A_420, %parallel_loop3A_421 : vector<16xf32>
            %parallel_loop3A_423 = arith.addf %parallel_loop3A_422, %gather3A_69 : vector<16xf32>
            %parallel_loop3A_424 = arith.constant 16 : i32
            %parallel_loop3A_425 = arith.muli %parallel_loop3A_403, %parallel_loop3A_424 : i32
            %parallel_loop3A_426 = arith.constant 0 : i32
            %parallel_loop3A_427 = arith.index_cast %select_n3A_296 : i32 to index
            %parallel_loop3A_428 = arith.index_cast %parallel_loop3A_426 : i32 to index
            %parallel_loop3A_429 = arith.index_cast %parallel_loop3A_401 : i32 to index
            %parallel_loop3A_430 = arith.index_cast %parallel_loop3A_425 : i32 to index
            %parallel_loop3A_431 = tpu.vector_load %run_scoped3A_76[%parallel_loop3A_427, %parallel_loop3A_428, %parallel_loop3A_429, %parallel_loop3A_430] {strides = array<i32>} : memref<3x2x8x512xf32, #tpu.memory_space<vmem>>, vector<16xf32>,
            tpu.vector_store %run_scoped3A_76[%parallel_loop3A_427, %parallel_loop3A_428, %parallel_loop3A_429, %parallel_loop3A_430], %parallel_loop3A_423 {strides = array<i32>} : memref<3x2x8x512xf32, #tpu.memory_space<vmem>>, vector<16xf32>,
            %parallel_loop3A_432 = arith.mulf %parallel_loop3A_411, %gather3A_55 : vector<16xf32>
            %parallel_loop3A_433 = arith.mulf %parallel_loop3A_419, %gather3A_65 : vector<16xf32>
            %parallel_loop3A_434 = arith.addf %parallel_loop3A_432, %parallel_loop3A_433 : vector<16xf32>
            %parallel_loop3A_435 = arith.addf %parallel_loop3A_434, %gather3A_75 : vector<16xf32>
            %parallel_loop3A_436 = arith.constant 16 : i32
            %parallel_loop3A_437 = arith.muli %parallel_loop3A_403, %parallel_loop3A_436 : i32
            %parallel_loop3A_438 = arith.constant 1 : i32
            %parallel_loop3A_439 = arith.index_cast %select_n3A_296 : i32 to index
            %parallel_loop3A_440 = arith.index_cast %parallel_loop3A_438 : i32 to index
            %parallel_loop3A_441 = arith.index_cast %parallel_loop3A_401 : i32 to index
            %parallel_loop3A_442 = arith.index_cast %parallel_loop3A_437 : i32 to index
            %parallel_loop3A_443 = tpu.vector_load %run_scoped3A_76[%parallel_loop3A_439, %parallel_loop3A_440, %parallel_loop3A_441, %parallel_loop3A_442] {strides = array<i32>} : memref<3x2x8x512xf32, #tpu.memory_space<vmem>>, vector<16xf32>,
            tpu.vector_store %run_scoped3A_76[%parallel_loop3A_439, %parallel_loop3A_440, %parallel_loop3A_441, %parallel_loop3A_442], %parallel_loop3A_435 {strides = array<i32>} : memref<3x2x8x512xf32, #tpu.memory_space<vmem>>, vector<16xf32>,
          } {sc.loop_unroll_factor = 8 : i64, sc.parallel_access}
          %jit3A_324 = arith.constant 8 : i32
          %div3A_325 = arith.divsi %scan3A_280, %jit3A_324 : i32
          %sign3A_326 = arith.constant 0 : i32
          %sign3A_327 = arith.cmpi sgt, %scan3A_280, %sign3A_326 : i32
          %sign3A_328 = arith.extui %sign3A_327 : i1 to i32
          %sign3A_329 = arith.constant 0 : i32
          %sign3A_330 = arith.cmpi slt, %scan3A_280, %sign3A_329 : i32
          %sign3A_331 = arith.extui %sign3A_330 : i1 to i32
          %sign3A_332 = arith.subi %sign3A_328, %sign3A_331 : i32
          %sign3A_333 = arith.constant 0 : i32
          %sign3A_334 = arith.cmpi sgt, %jit3A_324, %sign3A_333 : i32
          %sign3A_335 = arith.extui %sign3A_334 : i1 to i32
          %sign3A_336 = arith.constant 0 : i32
          %sign3A_337 = arith.cmpi slt, %jit3A_324, %sign3A_336 : i32
          %sign3A_338 = arith.extui %sign3A_337 : i1 to i32
          %sign3A_339 = arith.subi %sign3A_335, %sign3A_338 : i32
          %ne3A_340 = arith.cmpi ne, %sign3A_332, %sign3A_339 : i32
          %rem3A_341 = arith.remsi %scan3A_280, %jit3A_324 : i32
          %ne3A_342 = arith.constant 0 : i32
          %ne3A_343 = arith.cmpi ne, %rem3A_341, %ne3A_342 : i32
          %and3A_344 = arith.andi %ne3A_340, %ne3A_343 : i1
          %sub3A_345 = arith.constant 1 : i32
          %sub3A_346 = arith.subi %div3A_325, %sub3A_345 : i32
          %select_n3A_347 = arith.select %and3A_344, %sub3A_346, %div3A_325 : i32
          %mul3A_348 = arith.constant 8 : i32
          %mul3A_349 = arith.muli %select_n3A_347, %mul3A_348 : i32
          %sub3A_350 = arith.subi %scan3A_280, %mul3A_349 : i32
          %mul3A_351 = arith.constant 8 : i32
          %mul3A_352 = arith.muli %select_n3A_347, %mul3A_351 : i32
          %multiple_of3A_353 = tpu.assume_multiple %mul3A_352, 8 : i32
          %mul3A_354 = arith.constant 512 : i32
          %mul3A_355 = arith.muli %sub3A_350, %mul3A_354 : i32
          %add3A_356 = arith.addi %add3A_49, %mul3A_355 : i32
          %multiple_of3A_357 = tpu.assume_multiple %add3A_356, 512 : i32
          %add3A_358 = arith.constant 0 : i32
          %add3A_359 = arith.addi %mul3A_25, %add3A_358 : i32
          %dma_start3A_360 = arith.constant 0 : i32
          %dma_start3A_361 = arith.constant 0 : i32
          %dma_start3A_362 = arith.constant 0 : i32
          %dma_start3A_363 = tpu.memref_slice %run_scoped3A_76[%select_n3A_296, %dma_start3A_360, %dma_start3A_361, %dma_start3A_362] : memref<3x2x8x512xf32, #tpu.memory_space<vmem>> -> memref<1x1x8x512xf32, #tpu.memory_space<vmem>>
          %dma_start3A_364 = tpu.memref_squeeze %dma_start3A_363 : memref<1x1x8x512xf32, #tpu.memory_space<vmem>> -> memref<8x512xf32, #tpu.memory_space<vmem>>
          %dma_start3A_365 = tpu.memref_slice %arg6[%multiple_of3A_353, %add3A_359, %multiple_of3A_357] : memref<200x16x16384xf32, #tpu.memory_space<hbm>> -> memref<8x1x512xf32, #tpu.memory_space<hbm>>
          %dma_start3A_366 = tpu.memref_squeeze %dma_start3A_365 : memref<8x1x512xf32, #tpu.memory_space<hbm>> -> memref<8x512xf32, #tpu.memory_space<hbm>>
          %dma_start3A_367 = tpu.memref_slice %arg9[%select_n3A_296] : memref<3x!tpu.dma_semaphore, #tpu.memory_space<semaphore_mem>> -> memref<1x!tpu.dma_semaphore, #tpu.memory_space<semaphore_mem>>
          %dma_start3A_368 = tpu.memref_squeeze %dma_start3A_367 : memref<1x!tpu.dma_semaphore, #tpu.memory_space<semaphore_mem>> -> memref<!tpu.dma_semaphore, #tpu.memory_space<semaphore_mem>>
          %dma_start3A_369 = tpu.memref_slice %arg6[%multiple_of3A_353, %add3A_359, %multiple_of3A_357] : memref<200x16x16384xf32, #tpu.memory_space<hbm>> -> memref<8x1x512xf32, #tpu.memory_space<hbm>>
          %dma_start3A_370 = tpu.memref_squeeze %dma_start3A_369 : memref<8x1x512xf32, #tpu.memory_space<hbm>> -> memref<8x512xf32, #tpu.memory_space<hbm>>
          %dma_start3A_371 = arith.constant 0 : i32
          %dma_start3A_372 = arith.constant 0 : i32
          %dma_start3A_373 = tpu.memref_slice %run_scoped3A_76[%select_n3A_296, %dma_start3A_360, %dma_start3A_371, %dma_start3A_372] : memref<3x2x8x512xf32, #tpu.memory_space<vmem>> -> memref<1x1x8x512xf32, #tpu.memory_space<vmem>>
          %dma_start3A_374 = tpu.memref_squeeze %dma_start3A_373 : memref<1x1x8x512xf32, #tpu.memory_space<vmem>> -> memref<8x512xf32, #tpu.memory_space<vmem>>
          tpu.enqueue_dma source(%dma_start3A_374 : memref<8x512xf32, #tpu.memory_space<vmem>>) target(%dma_start3A_370 : memref<8x512xf32, #tpu.memory_space<hbm>>) target_semaphore(%dma_start3A_368 : memref<!tpu.dma_semaphore, #tpu.memory_space<semaphore_mem>>)
          %add3A_375 = arith.constant 1 : i32
          %add3A_376 = arith.addi %mul3A_25, %add3A_375 : i32
          %dma_start3A_377 = arith.constant 1 : i32
          %dma_start3A_378 = arith.constant 0 : i32
          %dma_start3A_379 = arith.constant 0 : i32
          %dma_start3A_380 = tpu.memref_slice %run_scoped3A_76[%select_n3A_296, %dma_start3A_377, %dma_start3A_378, %dma_start3A_379] : memref<3x2x8x512xf32, #tpu.memory_space<vmem>> -> memref<1x1x8x512xf32, #tpu.memory_space<vmem>>
          %dma_start3A_381 = tpu.memref_squeeze %dma_start3A_380 : memref<1x1x8x512xf32, #tpu.memory_space<vmem>> -> memref<8x512xf32, #tpu.memory_space<vmem>>
          %dma_start3A_382 = tpu.memref_slice %arg6[%multiple_of3A_353, %add3A_376, %multiple_of3A_357] : memref<200x16x16384xf32, #tpu.memory_space<hbm>> -> memref<8x1x512xf32, #tpu.memory_space<hbm>>
          %dma_start3A_383 = tpu.memref_squeeze %dma_start3A_382 : memref<8x1x512xf32, #tpu.memory_space<hbm>> -> memref<8x512xf32, #tpu.memory_space<hbm>>
          %dma_start3A_384 = tpu.memref_slice %arg9[%select_n3A_296] : memref<3x!tpu.dma_semaphore, #tpu.memory_space<semaphore_mem>> -> memref<1x!tpu.dma_semaphore, #tpu.memory_space<semaphore_mem>>
          %dma_start3A_385 = tpu.memref_squeeze %dma_start3A_384 : memref<1x!tpu.dma_semaphore, #tpu.memory_space<semaphore_mem>> -> memref<!tpu.dma_semaphore, #tpu.memory_space<semaphore_mem>>
          %dma_start3A_386 = tpu.memref_slice %arg6[%multiple_of3A_353, %add3A_376, %multiple_of3A_357] : memref<200x16x16384xf32, #tpu.memory_space<hbm>> -> memref<8x1x512xf32, #tpu.memory_space<hbm>>
          %dma_start3A_387 = tpu.memref_squeeze %dma_start3A_386 : memref<8x1x512xf32, #tpu.memory_space<hbm>> -> memref<8x512xf32, #tpu.memory_space<hbm>>
          %dma_start3A_388 = arith.constant 0 : i32
          %dma_start3A_389 = arith.constant 0 : i32
          %dma_start3A_390 = tpu.memref_slice %run_scoped3A_76[%select_n3A_296, %dma_start3A_377, %dma_start3A_388, %dma_start3A_389] : memref<3x2x8x512xf32, #tpu.memory_space<vmem>> -> memref<1x1x8x512xf32, #tpu.memory_space<vmem>>
          %dma_start3A_391 = tpu.memref_squeeze %dma_start3A_390 : memref<1x1x8x512xf32, #tpu.memory_space<vmem>> -> memref<8x512xf32, #tpu.memory_space<vmem>>
          tpu.enqueue_dma source(%dma_start3A_391 : memref<8x512xf32, #tpu.memory_space<vmem>>) target(%dma_start3A_387 : memref<8x512xf32, #tpu.memory_space<hbm>>) target_semaphore(%dma_start3A_385 : memref<!tpu.dma_semaphore, #tpu.memory_space<semaphore_mem>>)
          %add3A_392 = arith.constant 3 : i32
          %add3A_393 = arith.addi %scan3A_280, %add3A_392 : i32
          %lt3A_394 = arith.constant 200 : i32
          %lt3A_395 = arith.cmpi slt, %add3A_393, %lt3A_394 : i32
          %convert_element_type3A_396 = arith.extui %lt3A_395 : i1 to i32
          %cond3A_397 = arith.constant 0 : i32
          %cond3A_398 = arith.cmpi ne, %convert_element_type3A_396, %cond3A_397 : i32
          scf.if %cond3A_398 {
            %add3A_399 = arith.constant 3 : i32
            %add3A_400 = arith.addi %scan3A_280, %add3A_399 : i32
            %jit3A_401 = arith.constant 8 : i32
            %div3A_402 = arith.divsi %add3A_400, %jit3A_401 : i32
            %sign3A_403 = arith.constant 0 : i32
            %sign3A_404 = arith.cmpi sgt, %add3A_400, %sign3A_403 : i32
            %sign3A_405 = arith.extui %sign3A_404 : i1 to i32
            %sign3A_406 = arith.constant 0 : i32
            %sign3A_407 = arith.cmpi slt, %add3A_400, %sign3A_406 : i32
            %sign3A_408 = arith.extui %sign3A_407 : i1 to i32
            %sign3A_409 = arith.subi %sign3A_405, %sign3A_408 : i32
            %sign3A_410 = arith.constant 0 : i32
            %sign3A_411 = arith.cmpi sgt, %jit3A_401, %sign3A_410 : i32
            %sign3A_412 = arith.extui %sign3A_411 : i1 to i32
            %sign3A_413 = arith.constant 0 : i32
            %sign3A_414 = arith.cmpi slt, %jit3A_401, %sign3A_413 : i32
            %sign3A_415 = arith.extui %sign3A_414 : i1 to i32
            %sign3A_416 = arith.subi %sign3A_412, %sign3A_415 : i32
            %ne3A_417 = arith.cmpi ne, %sign3A_409, %sign3A_416 : i32
            %rem3A_418 = arith.remsi %add3A_400, %jit3A_401 : i32
            %ne3A_419 = arith.constant 0 : i32
            %ne3A_420 = arith.cmpi ne, %rem3A_418, %ne3A_419 : i32
            %and3A_421 = arith.andi %ne3A_417, %ne3A_420 : i1
            %sub3A_422 = arith.constant 1 : i32
            %sub3A_423 = arith.subi %div3A_402, %sub3A_422 : i32
            %select_n3A_424 = arith.select %and3A_421, %sub3A_423, %div3A_402 : i32
            %mul3A_425 = arith.constant 8 : i32
            %mul3A_426 = arith.muli %select_n3A_424, %mul3A_425 : i32
            %sub3A_427 = arith.subi %add3A_400, %mul3A_426 : i32
            %mul3A_428 = arith.constant 8 : i32
            %mul3A_429 = arith.muli %select_n3A_424, %mul3A_428 : i32
            %multiple_of3A_430 = tpu.assume_multiple %mul3A_429, 8 : i32
            %mul3A_431 = arith.constant 512 : i32
            %mul3A_432 = arith.muli %sub3A_427, %mul3A_431 : i32
            %add3A_433 = arith.addi %add3A_49, %mul3A_432 : i32
            %multiple_of3A_434 = tpu.assume_multiple %add3A_433, 512 : i32
            %dma_start3A_435 = arith.constant 0 : i32
            %dma_start3A_436 = arith.constant 0 : i32
            %dma_start3A_437 = arith.constant 0 : i32
            %dma_start3A_438 = tpu.memref_slice %run_scoped3A[%select_n3A_296, %dma_start3A_435, %dma_start3A_436, %dma_start3A_437] : memref<3x8x2x512xf32, #tpu.memory_space<vmem>> -> memref<1x8x2x512xf32, #tpu.memory_space<vmem>>
            %dma_start3A_439 = tpu.memref_squeeze %dma_start3A_438 : memref<1x8x2x512xf32, #tpu.memory_space<vmem>> -> memref<8x2x512xf32, #tpu.memory_space<vmem>>
            %dma_start3A_440 = arith.constant 0 : i32
            %dma_start3A_441 = tpu.memref_slice %arg3[%multiple_of3A_430, %dma_start3A_440, %multiple_of3A_434] : memref<200x2x16384xf32, #tpu.memory_space<hbm>> -> memref<8x2x512xf32, #tpu.memory_space<hbm>>
            %dma_start3A_442 = tpu.memref_slice %arg8[%select_n3A_296] : memref<3x!tpu.dma_semaphore, #tpu.memory_space<semaphore_mem>> -> memref<1x!tpu.dma_semaphore, #tpu.memory_space<semaphore_mem>>
            %dma_start3A_443 = tpu.memref_squeeze %dma_start3A_442 : memref<1x!tpu.dma_semaphore, #tpu.memory_space<semaphore_mem>> -> memref<!tpu.dma_semaphore, #tpu.memory_space<semaphore_mem>>
            %dma_start3A_444 = arith.constant 0 : i32
            %dma_start3A_445 = arith.constant 0 : i32
            %dma_start3A_446 = arith.constant 0 : i32
            %dma_start3A_447 = tpu.memref_slice %run_scoped3A[%select_n3A_296, %dma_start3A_444, %dma_start3A_445, %dma_start3A_446] : memref<3x8x2x512xf32, #tpu.memory_space<vmem>> -> memref<1x8x2x512xf32, #tpu.memory_space<vmem>>
            %dma_start3A_448 = tpu.memref_squeeze %dma_start3A_447 : memref<1x8x2x512xf32, #tpu.memory_space<vmem>> -> memref<8x2x512xf32, #tpu.memory_space<vmem>>
            %dma_start3A_449 = arith.constant 0 : i32
            %dma_start3A_450 = tpu.memref_slice %arg3[%multiple_of3A_430, %dma_start3A_449, %multiple_of3A_434] : memref<200x2x16384xf32, #tpu.memory_space<hbm>> -> memref<8x2x512xf32, #tpu.memory_space<hbm>>
            tpu.enqueue_dma source(%dma_start3A_450 : memref<8x2x512xf32, #tpu.memory_space<hbm>>) target(%dma_start3A_448 : memref<8x2x512xf32, #tpu.memory_space<vmem>>) target_semaphore(%dma_start3A_443 : memref<!tpu.dma_semaphore, #tpu.memory_space<semaphore_mem>>)
          } else {
          }
        }
        %scan3A_148 = arith.constant 200 : i32
        %dma_wait3A = arith.constant 0 : i32
        %dma_wait3A_149 = arith.constant 0 : i32
        %dma_wait3A_150 = arith.constant 0 : i32
        %dma_wait3A_151 = arith.constant 0 : i32
        %dma_wait3A_152 = arith.constant 0 : i32
        %dma_wait3A_153 = arith.constant 0 : i32
        %dma_wait3A_154 = tpu.memref_slice %run_scoped3A_76[%dma_wait3A, %dma_wait3A_149, %dma_wait3A_152, %dma_wait3A_153] : memref<3x2x8x512xf32, #tpu.memory_space<vmem>> -> memref<1x1x8x512xf32, #tpu.memory_space<vmem>>
        %dma_wait3A_155 = tpu.memref_squeeze %dma_wait3A_154 : memref<1x1x8x512xf32, #tpu.memory_space<vmem>> -> memref<8x512xf32, #tpu.memory_space<vmem>>
        %dma_wait3A_156 = arith.constant 0 : i32
        %dma_wait3A_157 = arith.constant 0 : i32
        %dma_wait3A_158 = tpu.memref_slice %arg6[%dma_wait3A_156, %dma_wait3A_150, %dma_wait3A_157] : memref<200x16x16384xf32, #tpu.memory_space<hbm>> -> memref<8x1x512xf32, #tpu.memory_space<hbm>>
        %dma_wait3A_159 = tpu.memref_squeeze %dma_wait3A_158 : memref<8x1x512xf32, #tpu.memory_space<hbm>> -> memref<8x512xf32, #tpu.memory_space<hbm>>
        %dma_wait3A_160 = tpu.memref_slice %arg9[%dma_wait3A_151] : memref<3x!tpu.dma_semaphore, #tpu.memory_space<semaphore_mem>> -> memref<1x!tpu.dma_semaphore, #tpu.memory_space<semaphore_mem>>
        %dma_wait3A_161 = tpu.memref_squeeze %dma_wait3A_160 : memref<1x!tpu.dma_semaphore, #tpu.memory_space<semaphore_mem>> -> memref<!tpu.dma_semaphore, #tpu.memory_space<semaphore_mem>>
        %dma_wait3A_162 = arith.constant 0 : i32
        %dma_wait3A_163 = arith.constant 0 : i32
        %dma_wait3A_164 = tpu.memref_slice %arg6[%dma_wait3A_162, %dma_wait3A_150, %dma_wait3A_163] : memref<200x16x16384xf32, #tpu.memory_space<hbm>> -> memref<8x1x512xf32, #tpu.memory_space<hbm>>
        %dma_wait3A_165 = tpu.memref_squeeze %dma_wait3A_164 : memref<8x1x512xf32, #tpu.memory_space<hbm>> -> memref<8x512xf32, #tpu.memory_space<hbm>>
        %dma_wait3A_166 = arith.constant 0 : i32
        %dma_wait3A_167 = arith.constant 0 : i32
        %dma_wait3A_168 = tpu.memref_slice %run_scoped3A_76[%dma_wait3A, %dma_wait3A_149, %dma_wait3A_166, %dma_wait3A_167] : memref<3x2x8x512xf32, #tpu.memory_space<vmem>> -> memref<1x1x8x512xf32, #tpu.memory_space<vmem>>
        %dma_wait3A_169 = tpu.memref_squeeze %dma_wait3A_168 : memref<1x1x8x512xf32, #tpu.memory_space<vmem>> -> memref<8x512xf32, #tpu.memory_space<vmem>>
        tpu.wait_dma2 semaphore(%dma_wait3A_161 : memref<!tpu.dma_semaphore, #tpu.memory_space<semaphore_mem>>) src(%dma_wait3A_169 : memref<8x512xf32, #tpu.memory_space<vmem>>) dst(%dma_wait3A_165 : memref<8x512xf32, #tpu.memory_space<hbm>>)
        %dma_wait3A_170 = arith.constant 0 : i32
        %dma_wait3A_171 = arith.constant 1 : i32
        %dma_wait3A_172 = arith.constant 0 : i32
        %dma_wait3A_173 = arith.constant 0 : i32
        %dma_wait3A_174 = arith.constant 0 : i32
        %dma_wait3A_175 = arith.constant 0 : i32
        %dma_wait3A_176 = tpu.memref_slice %run_scoped3A_76[%dma_wait3A_170, %dma_wait3A_171, %dma_wait3A_174, %dma_wait3A_175] : memref<3x2x8x512xf32, #tpu.memory_space<vmem>> -> memref<1x1x8x512xf32, #tpu.memory_space<vmem>>
        %dma_wait3A_177 = tpu.memref_squeeze %dma_wait3A_176 : memref<1x1x8x512xf32, #tpu.memory_space<vmem>> -> memref<8x512xf32, #tpu.memory_space<vmem>>
        %dma_wait3A_178 = arith.constant 0 : i32
        %dma_wait3A_179 = arith.constant 0 : i32
        %dma_wait3A_180 = tpu.memref_slice %arg6[%dma_wait3A_178, %dma_wait3A_172, %dma_wait3A_179] : memref<200x16x16384xf32, #tpu.memory_space<hbm>> -> memref<8x1x512xf32, #tpu.memory_space<hbm>>
        %dma_wait3A_181 = tpu.memref_squeeze %dma_wait3A_180 : memref<8x1x512xf32, #tpu.memory_space<hbm>> -> memref<8x512xf32, #tpu.memory_space<hbm>>
        %dma_wait3A_182 = tpu.memref_slice %arg9[%dma_wait3A_173] : memref<3x!tpu.dma_semaphore, #tpu.memory_space<semaphore_mem>> -> memref<1x!tpu.dma_semaphore, #tpu.memory_space<semaphore_mem>>
        %dma_wait3A_183 = tpu.memref_squeeze %dma_wait3A_182 : memref<1x!tpu.dma_semaphore, #tpu.memory_space<semaphore_mem>> -> memref<!tpu.dma_semaphore, #tpu.memory_space<semaphore_mem>>
        %dma_wait3A_184 = arith.constant 0 : i32
        %dma_wait3A_185 = arith.constant 0 : i32
        %dma_wait3A_186 = tpu.memref_slice %arg6[%dma_wait3A_184, %dma_wait3A_172, %dma_wait3A_185] : memref<200x16x16384xf32, #tpu.memory_space<hbm>> -> memref<8x1x512xf32, #tpu.memory_space<hbm>>
        %dma_wait3A_187 = tpu.memref_squeeze %dma_wait3A_186 : memref<8x1x512xf32, #tpu.memory_space<hbm>> -> memref<8x512xf32, #tpu.memory_space<hbm>>
        %dma_wait3A_188 = arith.constant 0 : i32
        %dma_wait3A_189 = arith.constant 0 : i32
        %dma_wait3A_190 = tpu.memref_slice %run_scoped3A_76[%dma_wait3A_170, %dma_wait3A_171, %dma_wait3A_188, %dma_wait3A_189] : memref<3x2x8x512xf32, #tpu.memory_space<vmem>> -> memref<1x1x8x512xf32, #tpu.memory_space<vmem>>
        %dma_wait3A_191 = tpu.memref_squeeze %dma_wait3A_190 : memref<1x1x8x512xf32, #tpu.memory_space<vmem>> -> memref<8x512xf32, #tpu.memory_space<vmem>>
        tpu.wait_dma2 semaphore(%dma_wait3A_183 : memref<!tpu.dma_semaphore, #tpu.memory_space<semaphore_mem>>) src(%dma_wait3A_191 : memref<8x512xf32, #tpu.memory_space<vmem>>) dst(%dma_wait3A_187 : memref<8x512xf32, #tpu.memory_space<hbm>>)
        %dma_wait3A_192 = arith.constant 1 : i32
        %dma_wait3A_193 = arith.constant 0 : i32
        %dma_wait3A_194 = arith.constant 0 : i32
        %dma_wait3A_195 = arith.constant 1 : i32
        %dma_wait3A_196 = arith.constant 0 : i32
        %dma_wait3A_197 = arith.constant 0 : i32
        %dma_wait3A_198 = tpu.memref_slice %run_scoped3A_76[%dma_wait3A_192, %dma_wait3A_193, %dma_wait3A_196, %dma_wait3A_197] : memref<3x2x8x512xf32, #tpu.memory_space<vmem>> -> memref<1x1x8x512xf32, #tpu.memory_space<vmem>>
        %dma_wait3A_199 = tpu.memref_squeeze %dma_wait3A_198 : memref<1x1x8x512xf32, #tpu.memory_space<vmem>> -> memref<8x512xf32, #tpu.memory_space<vmem>>
        %dma_wait3A_200 = arith.constant 0 : i32
        %dma_wait3A_201 = arith.constant 0 : i32
        %dma_wait3A_202 = tpu.memref_slice %arg6[%dma_wait3A_200, %dma_wait3A_194, %dma_wait3A_201] : memref<200x16x16384xf32, #tpu.memory_space<hbm>> -> memref<8x1x512xf32, #tpu.memory_space<hbm>>
        %dma_wait3A_203 = tpu.memref_squeeze %dma_wait3A_202 : memref<8x1x512xf32, #tpu.memory_space<hbm>> -> memref<8x512xf32, #tpu.memory_space<hbm>>
        %dma_wait3A_204 = tpu.memref_slice %arg9[%dma_wait3A_195] : memref<3x!tpu.dma_semaphore, #tpu.memory_space<semaphore_mem>> -> memref<1x!tpu.dma_semaphore, #tpu.memory_space<semaphore_mem>>
        %dma_wait3A_205 = tpu.memref_squeeze %dma_wait3A_204 : memref<1x!tpu.dma_semaphore, #tpu.memory_space<semaphore_mem>> -> memref<!tpu.dma_semaphore, #tpu.memory_space<semaphore_mem>>
        %dma_wait3A_206 = arith.constant 0 : i32
        %dma_wait3A_207 = arith.constant 0 : i32
        %dma_wait3A_208 = tpu.memref_slice %arg6[%dma_wait3A_206, %dma_wait3A_194, %dma_wait3A_207] : memref<200x16x16384xf32, #tpu.memory_space<hbm>> -> memref<8x1x512xf32, #tpu.memory_space<hbm>>
        %dma_wait3A_209 = tpu.memref_squeeze %dma_wait3A_208 : memref<8x1x512xf32, #tpu.memory_space<hbm>> -> memref<8x512xf32, #tpu.memory_space<hbm>>
        %dma_wait3A_210 = arith.constant 0 : i32
        %dma_wait3A_211 = arith.constant 0 : i32
        %dma_wait3A_212 = tpu.memref_slice %run_scoped3A_76[%dma_wait3A_192, %dma_wait3A_193, %dma_wait3A_210, %dma_wait3A_211] : memref<3x2x8x512xf32, #tpu.memory_space<vmem>> -> memref<1x1x8x512xf32, #tpu.memory_space<vmem>>
        %dma_wait3A_213 = tpu.memref_squeeze %dma_wait3A_212 : memref<1x1x8x512xf32, #tpu.memory_space<vmem>> -> memref<8x512xf32, #tpu.memory_space<vmem>>
        tpu.wait_dma2 semaphore(%dma_wait3A_205 : memref<!tpu.dma_semaphore, #tpu.memory_space<semaphore_mem>>) src(%dma_wait3A_213 : memref<8x512xf32, #tpu.memory_space<vmem>>) dst(%dma_wait3A_209 : memref<8x512xf32, #tpu.memory_space<hbm>>)
        %dma_wait3A_214 = arith.constant 1 : i32
        %dma_wait3A_215 = arith.constant 1 : i32
        %dma_wait3A_216 = arith.constant 0 : i32
        %dma_wait3A_217 = arith.constant 1 : i32
        %dma_wait3A_218 = arith.constant 0 : i32
        %dma_wait3A_219 = arith.constant 0 : i32
        %dma_wait3A_220 = tpu.memref_slice %run_scoped3A_76[%dma_wait3A_214, %dma_wait3A_215, %dma_wait3A_218, %dma_wait3A_219] : memref<3x2x8x512xf32, #tpu.memory_space<vmem>> -> memref<1x1x8x512xf32, #tpu.memory_space<vmem>>
        %dma_wait3A_221 = tpu.memref_squeeze %dma_wait3A_220 : memref<1x1x8x512xf32, #tpu.memory_space<vmem>> -> memref<8x512xf32, #tpu.memory_space<vmem>>
        %dma_wait3A_222 = arith.constant 0 : i32
        %dma_wait3A_223 = arith.constant 0 : i32
        %dma_wait3A_224 = tpu.memref_slice %arg6[%dma_wait3A_222, %dma_wait3A_216, %dma_wait3A_223] : memref<200x16x16384xf32, #tpu.memory_space<hbm>> -> memref<8x1x512xf32, #tpu.memory_space<hbm>>
        %dma_wait3A_225 = tpu.memref_squeeze %dma_wait3A_224 : memref<8x1x512xf32, #tpu.memory_space<hbm>> -> memref<8x512xf32, #tpu.memory_space<hbm>>
        %dma_wait3A_226 = tpu.memref_slice %arg9[%dma_wait3A_217] : memref<3x!tpu.dma_semaphore, #tpu.memory_space<semaphore_mem>> -> memref<1x!tpu.dma_semaphore, #tpu.memory_space<semaphore_mem>>
        %dma_wait3A_227 = tpu.memref_squeeze %dma_wait3A_226 : memref<1x!tpu.dma_semaphore, #tpu.memory_space<semaphore_mem>> -> memref<!tpu.dma_semaphore, #tpu.memory_space<semaphore_mem>>
        %dma_wait3A_228 = arith.constant 0 : i32
        %dma_wait3A_229 = arith.constant 0 : i32
        %dma_wait3A_230 = tpu.memref_slice %arg6[%dma_wait3A_228, %dma_wait3A_216, %dma_wait3A_229] : memref<200x16x16384xf32, #tpu.memory_space<hbm>> -> memref<8x1x512xf32, #tpu.memory_space<hbm>>
        %dma_wait3A_231 = tpu.memref_squeeze %dma_wait3A_230 : memref<8x1x512xf32, #tpu.memory_space<hbm>> -> memref<8x512xf32, #tpu.memory_space<hbm>>
        %dma_wait3A_232 = arith.constant 0 : i32
        %dma_wait3A_233 = arith.constant 0 : i32
        %dma_wait3A_234 = tpu.memref_slice %run_scoped3A_76[%dma_wait3A_214, %dma_wait3A_215, %dma_wait3A_232, %dma_wait3A_233] : memref<3x2x8x512xf32, #tpu.memory_space<vmem>> -> memref<1x1x8x512xf32, #tpu.memory_space<vmem>>
        %dma_wait3A_235 = tpu.memref_squeeze %dma_wait3A_234 : memref<1x1x8x512xf32, #tpu.memory_space<vmem>> -> memref<8x512xf32, #tpu.memory_space<vmem>>
        tpu.wait_dma2 semaphore(%dma_wait3A_227 : memref<!tpu.dma_semaphore, #tpu.memory_space<semaphore_mem>>) src(%dma_wait3A_235 : memref<8x512xf32, #tpu.memory_space<vmem>>) dst(%dma_wait3A_231 : memref<8x512xf32, #tpu.memory_space<hbm>>)
        %dma_wait3A_236 = arith.constant 2 : i32
        %dma_wait3A_237 = arith.constant 0 : i32
        %dma_wait3A_238 = arith.constant 0 : i32
        %dma_wait3A_239 = arith.constant 2 : i32
        %dma_wait3A_240 = arith.constant 0 : i32
        %dma_wait3A_241 = arith.constant 0 : i32
        %dma_wait3A_242 = tpu.memref_slice %run_scoped3A_76[%dma_wait3A_236, %dma_wait3A_237, %dma_wait3A_240, %dma_wait3A_241] : memref<3x2x8x512xf32, #tpu.memory_space<vmem>> -> memref<1x1x8x512xf32, #tpu.memory_space<vmem>>
        %dma_wait3A_243 = tpu.memref_squeeze %dma_wait3A_242 : memref<1x1x8x512xf32, #tpu.memory_space<vmem>> -> memref<8x512xf32, #tpu.memory_space<vmem>>
        %dma_wait3A_244 = arith.constant 0 : i32
        %dma_wait3A_245 = arith.constant 0 : i32
        %dma_wait3A_246 = tpu.memref_slice %arg6[%dma_wait3A_244, %dma_wait3A_238, %dma_wait3A_245] : memref<200x16x16384xf32, #tpu.memory_space<hbm>> -> memref<8x1x512xf32, #tpu.memory_space<hbm>>
        %dma_wait3A_247 = tpu.memref_squeeze %dma_wait3A_246 : memref<8x1x512xf32, #tpu.memory_space<hbm>> -> memref<8x512xf32, #tpu.memory_space<hbm>>
        %dma_wait3A_248 = tpu.memref_slice %arg9[%dma_wait3A_239] : memref<3x!tpu.dma_semaphore, #tpu.memory_space<semaphore_mem>> -> memref<1x!tpu.dma_semaphore, #tpu.memory_space<semaphore_mem>>
        %dma_wait3A_249 = tpu.memref_squeeze %dma_wait3A_248 : memref<1x!tpu.dma_semaphore, #tpu.memory_space<semaphore_mem>> -> memref<!tpu.dma_semaphore, #tpu.memory_space<semaphore_mem>>
        %dma_wait3A_250 = arith.constant 0 : i32
        %dma_wait3A_251 = arith.constant 0 : i32
        %dma_wait3A_252 = tpu.memref_slice %arg6[%dma_wait3A_250, %dma_wait3A_238, %dma_wait3A_251] : memref<200x16x16384xf32, #tpu.memory_space<hbm>> -> memref<8x1x512xf32, #tpu.memory_space<hbm>>
        %dma_wait3A_253 = tpu.memref_squeeze %dma_wait3A_252 : memref<8x1x512xf32, #tpu.memory_space<hbm>> -> memref<8x512xf32, #tpu.memory_space<hbm>>
        %dma_wait3A_254 = arith.constant 0 : i32
        %dma_wait3A_255 = arith.constant 0 : i32
        %dma_wait3A_256 = tpu.memref_slice %run_scoped3A_76[%dma_wait3A_236, %dma_wait3A_237, %dma_wait3A_254, %dma_wait3A_255] : memref<3x2x8x512xf32, #tpu.memory_space<vmem>> -> memref<1x1x8x512xf32, #tpu.memory_space<vmem>>
        %dma_wait3A_257 = tpu.memref_squeeze %dma_wait3A_256 : memref<1x1x8x512xf32, #tpu.memory_space<vmem>> -> memref<8x512xf32, #tpu.memory_space<vmem>>
        tpu.wait_dma2 semaphore(%dma_wait3A_249 : memref<!tpu.dma_semaphore, #tpu.memory_space<semaphore_mem>>) src(%dma_wait3A_257 : memref<8x512xf32, #tpu.memory_space<vmem>>) dst(%dma_wait3A_253 : memref<8x512xf32, #tpu.memory_space<hbm>>)
        %dma_wait3A_258 = arith.constant 2 : i32
        %dma_wait3A_259 = arith.constant 1 : i32
        %dma_wait3A_260 = arith.constant 0 : i32
        %dma_wait3A_261 = arith.constant 2 : i32
        %dma_wait3A_262 = arith.constant 0 : i32
        %dma_wait3A_263 = arith.constant 0 : i32
        %dma_wait3A_264 = tpu.memref_slice %run_scoped3A_76[%dma_wait3A_258, %dma_wait3A_259, %dma_wait3A_262, %dma_wait3A_263] : memref<3x2x8x512xf32, #tpu.memory_space<vmem>> -> memref<1x1x8x512xf32, #tpu.memory_space<vmem>>
        %dma_wait3A_265 = tpu.memref_squeeze %dma_wait3A_264 : memref<1x1x8x512xf32, #tpu.memory_space<vmem>> -> memref<8x512xf32, #tpu.memory_space<vmem>>
        %dma_wait3A_266 = arith.constant 0 : i32
        %dma_wait3A_267 = arith.constant 0 : i32
        %dma_wait3A_268 = tpu.memref_slice %arg6[%dma_wait3A_266, %dma_wait3A_260, %dma_wait3A_267] : memref<200x16x16384xf32, #tpu.memory_space<hbm>> -> memref<8x1x512xf32, #tpu.memory_space<hbm>>
        %dma_wait3A_269 = tpu.memref_squeeze %dma_wait3A_268 : memref<8x1x512xf32, #tpu.memory_space<hbm>> -> memref<8x512xf32, #tpu.memory_space<hbm>>
        %dma_wait3A_270 = tpu.memref_slice %arg9[%dma_wait3A_261] : memref<3x!tpu.dma_semaphore, #tpu.memory_space<semaphore_mem>> -> memref<1x!tpu.dma_semaphore, #tpu.memory_space<semaphore_mem>>
        %dma_wait3A_271 = tpu.memref_squeeze %dma_wait3A_270 : memref<1x!tpu.dma_semaphore, #tpu.memory_space<semaphore_mem>> -> memref<!tpu.dma_semaphore, #tpu.memory_space<semaphore_mem>>
        %dma_wait3A_272 = arith.constant 0 : i32
        %dma_wait3A_273 = arith.constant 0 : i32
        %dma_wait3A_274 = tpu.memref_slice %arg6[%dma_wait3A_272, %dma_wait3A_260, %dma_wait3A_273] : memref<200x16x16384xf32, #tpu.memory_space<hbm>> -> memref<8x1x512xf32, #tpu.memory_space<hbm>>
        %dma_wait3A_275 = tpu.memref_squeeze %dma_wait3A_274 : memref<8x1x512xf32, #tpu.memory_space<hbm>> -> memref<8x512xf32, #tpu.memory_space<hbm>>
        %dma_wait3A_276 = arith.constant 0 : i32
        %dma_wait3A_277 = arith.constant 0 : i32
        %dma_wait3A_278 = tpu.memref_slice %run_scoped3A_76[%dma_wait3A_258, %dma_wait3A_259, %dma_wait3A_276, %dma_wait3A_277] : memref<3x2x8x512xf32, #tpu.memory_space<vmem>> -> memref<1x1x8x512xf32, #tpu.memory_space<vmem>>
        %dma_wait3A_279 = tpu.memref_squeeze %dma_wait3A_278 : memref<1x1x8x512xf32, #tpu.memory_space<vmem>> -> memref<8x512xf32, #tpu.memory_space<vmem>>
        tpu.wait_dma2 semaphore(%dma_wait3A_271 : memref<!tpu.dma_semaphore, #tpu.memory_space<semaphore_mem>>) src(%dma_wait3A_279 : memref<8x512xf32, #tpu.memory_space<vmem>>) dst(%dma_wait3A_275 : memref<8x512xf32, #tpu.memory_space<hbm>>)
        tpu.yield
      }) : () -> ()
    } else {
    }
    return
  }
}

</mosaic_0001>

<sc_bundles>
// kernel: kernel.3.cloned.1.call-start
scs
__scs_entry_jumppad:
0x0: {  	(pc) =	sbr.rel $0x88, $3  }
0x1: {  	(tag) =	ssettag $0x0;
	lr =	simm.s32 $0x1  }
0x2: {  	[smem:$0x3F9C] =	sst lr;
	_ =	strace $0xD0000000  }
0x3: {  	_ = 	snop  }
0x4: {  	_ = 	snop  }
0x5: {  	_ = 	snop  }
0x6: {  	_ = 	snop  }
0x7: {  	_ = 	snop  }
__scs_overlays_trampoline_lowered:
0x8: {  	[smem:$0x3FAB] =	sst s0  }
0x9: {  	[smem:$0x3FAC] =	sst s1  }
0xa: {  	[smem:$0x3FAD] =	sst s2  }
0xb: {  	[smem:$0x3FAE] =	sst s3  }
0xc: {  	[smem:$0x3FAF] =	sst s4  }
0xd: {  	[smem:$0x3FB0] =	sst s5  }
0xe: {  	[smem:$0x3FB1] =	sst s6  }
0xf: {  	[smem:$0x3FB2] =	sst s7  }
0x10: {  	[smem:$0x3FB3] =	sst s8  }
0x11: {  	[smem:$0x3FB4] =	sst s9;
	s0 =	simm.s32 @!p0 $0x0  }
0x12: {  	s1 =	sld [smem:$0x3F9A];
	s0 =	simm.s32 @p0 $0x1  }
0x13: {  	[smem:$0x3FB5] =	sst s0;
	s0 =	simm.s32 @!p1 $0x0  }
0x14: {  	s2 =	sld [smem:$0x3F99];
	s0 =	simm.s32 @p1 $0x1  }
0x15: {  	[smem:$0x3FB6] =	sst s0;
	s0 =	simm.s32 @!p2 $0x0  }
0x16: {  	s3 =	sld [smem:$0x3FDB];
	s0 =	simm.s32 @p2 $0x1  }
0x17: {  	s4 =	simm.s32 $0x1BF5;
	[smem:$0x3FB8] =	sst s0  }
0x18: {  	s0 =	sld [smem:$0x3F9B];
	_ =	swait.ge [sflag:s4], $0x0  }
0x19: {  	s7 =	sld [smem:$0x3F9C]  }
0x1a: {  	s8 =	sadd.s32 $0xFFFFE003, lr  }
0x1b: {  	s9 =	sadd.s32 $0xFFFFFEF7, lr;
	s5 =	simm.s32 $0xFFFFFFFF;
	p2 =	slt.u32 s8, $0xFFFFF086  }
0x1c: {  	p1 =	slt.u32 s9, $0xF7A;
	s5 =	simm.s32 @!p2 $0x0  }
0x1d: {  	s5 =	simm.s32 @p1 $0x1;
	p0 =	seq.s32 s7, s2  }
0x1e: {  	s7 =	smul.u32 @!p0 $0xF7A, s2;
	p2 =	seq.s32 @!p0 s5, $0x0  }
0x1f: {  	s9 =	smul.u32 $0xF7A, s1;
	s8 =	simm.s32 @!p0 $0x1BF5;
	p2 =	por !p2, p0  }
0x20: {  	[sflag:s8] =	ssyncset.s32 @!p0 $0xFFFFF086;
	s6 =	sadd.s32 @!p0 s3, s7;
	s7 =	simm.s32 @!p0 $0x108  }
0x21: {  	s3 =	sadd.s32 s3, s9;
	s6 =	sadd.s32 @!p0 $0x88, s6;
	s7 =	simm.s32 @p2 $0x1082  }
0x22: {  	[simem:s7], [sflag:s8] =	dma.local @!p0 [hbm:s6], $0xF7A  }
0x23: {  	s9 =	sor.u32 $0xD0000000, s2;
	s6 =	simm.s32 $0x108;
	_ =	swait.ge @!p0 [sflag:s8], $0x0  }
0x24: {  	s3 =	sadd.s32 $0x88, s3;
	s6 =	simm.s32 @!p1 $0x1082;
	[sflag:s4] =	ssyncset.s32 $0xFFFFF086  }
0x25: {  	[simem:s6], [sflag:s4] =	dma.local [hbm:s3], $0xF7A  }
0x26: {  	[smem:$0x3F9C] =	sst s1;
	(tag) =	ssettag s2;
	_ =	strace s9  }
0x27: {  	s1 =	sld [smem:$0x3FAC]  }
0x28: {  	s2 =	sld [smem:$0x3FAD]  }
0x29: {  	s4 =	sld [smem:$0x3FAF]  }
0x2a: {  	p0 =	seq.s32 s5, $0x0;
	s5 =	sld [smem:$0x3FB0]  }
0x2b: {  	s6 =	sld [smem:$0x3FB1]  }
0x2c: {  	s7 =	sld [smem:$0x3FB2]  }
0x2d: {  	s3 =	simm.s32 $0x108;
	s8 =	sld [smem:$0x3FB3]  }
0x2e: {  	s3 =	simm.s32 @!p0 $0x1082;
	s9 =	sld [smem:$0x3FB4]  }
0x2f: {  	lr =	sadd.s32 s0, s3;
	s0 =	sld [smem:$0x3FAB]  }
0x30: {  	s3 =	sld [smem:$0x3FAE]  }
0x31: {  	[smem:$0x3FB7] =	sst s10  }
0x32: {  	s10 =	sld [smem:$0x3FB5];
	_ =	sdelay $0x3  }
0x33: {  	p0 =	seq.s32 s10, $0x1;
	s10 =	sld [smem:$0x3FB7];
	_ =	sdelay $0x3  }
0x34: {  	[smem:$0x3FB7] =	sst s10  }
0x35: {  	s10 =	sld [smem:$0x3FB6];
	_ =	sdelay $0x3  }
0x36: {  	p1 =	seq.s32 s10, $0x1;
	s10 =	sld [smem:$0x3FB7];
	_ =	sdelay $0x3  }
0x37: {  	[smem:$0x3FB7] =	sst s10  }
0x38: {  	s10 =	sld [smem:$0x3FB8]  }
0x39: {  	_ = 	snop;
	(pc) =	sbr.ind lr, $3  }
0x3a: {  	_ = 	snop  }
0x3b: {  	_ = 	snop  }
0x3c: {  	p2 =	seq.s32 s10, $0x1;
	s10 =	sld [smem:$0x3FB7]  }
0x3d: {  	_ =	shalt  }
0x3e: {  	_ =	shalt  }
0x3f: {  	_ =	shalt  }
0x40: {  	_ =	shalt  }
0x41: {  	_ =	shalt  }
0x42: {  	_ =	shalt  }
0x43: {  	_ =	shalt  }
0x44: {  	_ =	shalt  }
0x45: {  	_ =	shalt  }
0x46: {  	_ =	shalt  }
0x47: {  	_ =	shalt  }
0x48: {  	_ =	shalt  }
0x49: {  	_ =	shalt  }
0x4a: {  	_ =	shalt  }
0x4b: {  	_ =	shalt  }
0x4c: {  	_ =	shalt  }
0x4d: {  	_ =	shalt  }
0x4e: {  	_ =	shalt  }
0x4f: {  	_ =	shalt  }
0x50: {  	_ =	shalt  }
0x51: {  	_ =	shalt  }
0x52: {  	_ =	shalt  }
0x53: {  	_ =	shalt  }
0x54: {  	_ =	shalt  }
0x55: {  	_ =	shalt  }
0x56: {  	_ =	shalt  }
0x57: {  	_ =	shalt  }
0x58: {  	_ =	shalt  }
0x59: {  	_ =	shalt  }
0x5a: {  	_ =	shalt  }
0x5b: {  	_ =	shalt  }
0x5c: {  	_ =	shalt  }
0x5d: {  	_ =	shalt  }
0x5e: {  	_ =	shalt  }
0x5f: {  	_ =	shalt  }
0x60: {  	_ =	shalt  }
0x61: {  	_ =	shalt  }
0x62: {  	_ =	shalt  }
0x63: {  	_ =	shalt  }
0x64: {  	_ =	shalt  }
0x65: {  	_ =	shalt  }
0x66: {  	_ =	shalt  }
0x67: {  	_ =	shalt  }
0x68: {  	_ =	shalt  }
0x69: {  	_ =	shalt  }
0x6a: {  	_ =	shalt  }
0x6b: {  	_ =	shalt  }
0x6c: {  	_ =	shalt  }
0x6d: {  	_ =	shalt  }
0x6e: {  	_ =	shalt  }
0x6f: {  	_ =	shalt  }
0x70: {  	_ =	shalt  }
0x71: {  	_ =	shalt  }
0x72: {  	_ =	shalt  }
0x73: {  	_ =	shalt  }
0x74: {  	_ =	shalt  }
0x75: {  	_ =	shalt  }
0x76: {  	_ =	shalt  }
0x77: {  	_ =	shalt  }
0x78: {  	_ =	shalt  }
0x79: {  	_ =	shalt  }
0x7a: {  	_ =	shalt  }
0x7b: {  	_ =	shalt  }
0x7c: {  	_ =	shalt  }
0x7d: {  	_ =	shalt  }
0x7e: {  	_ =	shalt  }
0x7f: {  	_ =	shalt  }
0x80: {  	_ =	shalt  }
0x81: {  	_ =	shalt  }
0x82: {  	_ =	shalt  }
0x83: {  	_ =	shalt  }
0x84: {  	_ =	shalt  }
0x85: {  	_ =	shalt  }
0x86: {  	_ =	shalt  }
0x87: {  	_ =	shalt  }
.Lfunc_end0:
.L_simem_size_0:
called_computation_lowered:
.L_overlay_start_0:
0x88: {  	s2 =	sld [smem:$0x3FD9]  }
0x89: {  	s3 =	sld [smem:$0x3FFE];
	_ =	sdelay $0x1  }
0x8a: {  	s1 =	srdreg.scid  }
0x8b: {  	s0 =	sand.u32 $0x1, s1  }
0x8c: {  	s17 =	sshll.u32 s0, $0xA;
	s2 =	sadd.s32 s3, s2  }
0x8d: {  	s2 =	sadd.s32 s2, s17  }
0x8e: {  	[smem:$0x3FC3] =	sst s2  }
0x8f: {  	_ = 	snop  }
0x90: {  	s2 =	sld [smem:$0x3FC9]  }
0x91: {  	s18 =	sld [smem:$0x3FC8]  }
0x92: {  	s4 =	sld [smem:$0x3FC5]  }
0x93: {  	s5 =	sld [smem:$0x3FD0];
	(tm) =	ssettm $0x1  }
0x94: {  	s6 =	sld [smem:$0x3FFB];
	_ =	sdelay $0x3  }
0x95: {  	_ =	strace s6  }
0x96: {  	s6 =	sld [smem:$0x3FFC];
	_ =	sdelay $0x3  }
0x97: {  	_ =	strace s6  }
0x98: {  	s6 =	sld [smem:$0x3FFD];
	_ =	sdelay $0x3  }
0x99: {  	_ =	strace s6  }
0x9a: {  	_ =	strace $0x8FFFFFFF  }
0x9b: {  	s19 =	sld [smem:$0x3FDB];
	_ =	sdelay $0x1  }
0x9c: {  	s7 =	simm.s32 $_scs_section_size  }
0x9d: {  	s8 =	simm.s32 $_size__tile_overlayer_lowered;
	s9 =	simm.s32 $_tile_overlayer_lowered  }
0x9e: {  	s22 =	simm.s32 $0x1BFF;
	s21 =	sshll.u32 s9, $0x1;
	s6 =	sadd.s32 s7, s19  }
0x9f: {  	s10 =	simm.s32 $0x0;
	s20 =	sshll.u32 s8, $0x1;
	s8 =	sadd.s32 s21, s6  }
0xa0: {  	[timem:s10], [sflag:s22] =	dma.local [hbm:s8], s20  }
0xa1: {  	_ =	swait.ge [sflag:s22], s20  }
0xa2: {  	s7 =	ssub.s32 $0x0, s20;
	[sflag:s22] =	ssyncset.done $0x0  }
0xa3: {  	[sflag:s22] =	ssyncadd.s32 s7;
	_ =	sdelay $0x1  }
0xa4: {  	s23 =	simm.s32 $0x1B8B  }
0xa5: {  	_ =	swait.ge [sflag:s23], $0x1  }
0xa6: {  	[sflag:s23] =	ssyncset.done $0x0  }
0xa7: {  	s25 =	simm.s32 $0x1B8E;
	s24 =	sld [smem:$0x3FFE];
	[sflag:s23] =	ssyncadd.s32 $0xFFFFFFFF  }
0xa8: {  	s26 =	simm.s32 $execute0_lowered;
	[smem:$0x3FD2] =	sst s25  }
0xa9: {  	s8 =	sshll.u32 s26, $0x1;
	_ =	strace $0x80000046;
	[dreg:$0x1] =	wrdreg $0xFFFFFFFF  }
0xaa: {  	s28 =	simm.s32 $_size_execute0_lowered;
	s6 =	sadd.s32 s6, s8;
	[dreg:$0x0] =	wrdreg $0x0  }
0xab: {  	s8 =	sshll.u32 s28, $0x1;
	[dreg:$0x2] =	wrdreg s6  }
0xac: {  	[dreg:$0x3] =	wrdreg s8  }
0xad: {  	[dreg:$0x4] =	wrdreg $0xC0  }
0xae: {  	_ =	task [dreg:s10], $0x5FFFF  }
0xaf: {  	[dreg:$0x1] =	wrdreg $0xFFFFFFFF  }
0xb0: {  	[dreg:$0x0] =	wrdreg $0x60  }
0xb1: {  	[dreg:$0x2] =	wrdreg s18  }
0xb2: {  	[dreg:$0x3] =	wrdreg s2  }
0xb3: {  	[dreg:$0x4] =	wrdreg s4  }
0xb4: {  	[dreg:$0x5] =	wrdreg s24  }
0xb5: {  	[dreg:$0x6] =	wrdreg s5  }
0xb6: {  	[dreg:$0x7] =	wrdreg $0x9  }
0xb7: {  	_ =	task.clear_ibuf [dreg:s10], $0x8FFFF;
	_ =	strace $0x90000046  }
0xb8: {  	s29 =	simm.s32 $0x9;
	_ =	strace $0x80000048  }
0xb9: {  	_ =	swait.ge [sflag:s29], $0x1  }
0xba: {  	[sflag:s29] =	ssyncadd.s32 $0xFFFFFFFF  }
0xbb: {  	_ =	strace $0x90000048  }
0xbc: {  	_ =	sfence  }
0xbd: {  	s30 =	sld [smem:$0x0];
	_ =	sdelay $0x2  }
0xbe: {  	s31 =	sshll.u32 s1, $0xD;
	s1 =	sshrl.u32 s1, $0x2  }
0xbf: {  	s3 =	sand.u32 $0x4000, s31;
	s1 =	sadd.s32 s1, s30  }
0xc0: {  	s0 =	sor.u32 s3, s0;
	s1 =	sshll.u32 s1, $0x11  }
0xc1: {  	s0 =	sor.u32 s1, s0  }
0xc2: {  	s0 =	sadd.s32 $0x8F2B, s0  }
0xc3: {  	[sflag:s0] =	ssyncadd.remote.s32 $0x1  }
0xc4: {  	_ =	sfence.sel $0xFFFF  }
0xc5: {  	[dreg:$0x0] =	wrdreg $0xFFFFFFFF;
	(pc) =	sbr.abs _section_cstart, $3  }
0xc6: {  	[dreg:$0x1] =	wrdreg $0xFFFFFFFF  }
0xc7: {  	_ =	task.clear_ibuf [dreg:s10], $0x2FFFF;
	_ =	strace $0x9FFFFFFF  }
0xc8: {  	(tm) =	ssettm $0x7FFFFFFF  }
0xc9: {  	_ =	shalt  }
tec
execute0_lowered:
.L_overlay_start_1:
0x0: {  	(tag) =	ssettag $0x1  }
0x1: {  	s1 =	rddreg [dreg:$0x0]  }
0x2: {  	s2 =	rddreg [dreg:$0x1]  }
0x3: {  	s0 =	rddreg [dreg:$0x2]  }
0x4: {  	s4 =	rddreg [dreg:$0x3]  }
0x5: {  	s3 =	rddreg [dreg:$0x4]  }
0x6: {  	s5 =	srdreg.scid;
	s6 =	simm.s32 $0x0;
	s21 =	stileid.u32  }
0x7: {  	s8 =	simm.s32 $0x1000;
	s30 =	simm.s32 $0x40000;
	s29 =	simm.s32 $0x0  }
0x8: {  	s5 =	sand.u32 $0x1, s5;
	[smem:$0x7FF] =	sst s6;
	s4 =	sadd.s32 $0x600, s4  }
0x9: {  	s28 =	sadd.s32 $0xFFFFFFFD, s21;
	p0 =	sgt.u32 s21, $0x2;
	s11 =	sadd.s32 $0xFFFFFFFA, s21  }
0xa: {  	s25 =	sshll.u32 s21, $0xE;
	s26 =	ssub.s32 $0x2, s5;
	_ =	strace $0x80000047  }
0xb: {  	[dreg:$0x6] =	wrdreg s4;
	s6 =	smin.u32 s21, s28;
	s8 =	simm.s32 @!p0 $0x0  }
0xc: {  	s13 =	sshrl.u32 s11, $0x3;
	s11 =	sshll.u32 s11, $0x7;
	p0 =	slt.u32 s21, $0x6  }
0xd: {  	s7 =	sshrl.u32 s26, $0x1;
	s9 =	sshll.u32 s6, $0x1;
	s10 =	sshllo.u32 s6, $0x1  }
0xe: {  	s31 =	smul.u32 $0xC3800, s13;
	s19 =	sand.u32 $0x380, s11;
	s4 =	ssub.s32 s26, s7  }
0xf: {  	s7 =	sshll.u32 s5, $0xD;
	s14 =	sor.u32 $0x10, s9;
	s17 =	sor.u32 $0x11, s9  }
0x10: {  	s18 =	sor.u32 $0x20, s9;
	s20 =	sor.u32 $0x21, s9;
	s13 =	sshll.u32 s10, $0x7  }
0x11: {  	s26 =	sshll.u32 s21, $0x7;
	s8 =	sor.u32 s7, s8;
	s23 =	sor.u32 s19, s31  }
0x12: {  	s28 =	sadd.s32 s1, s7;
	s4 =	smax.u32 s4, $0x1;
	s19 =	sshll.u32 s5, $0x10  }
0x13: {  	s12 =	sshrl.u32 s8, $0x2;
	s11 =	sshll.u32 s8, $0x3;
	[dreg:$0xc] =	wrdreg s4  }
0x14: {  	s24 =	sshrl.u32 s23, $0x3;
	s31 =	sadd.s32 $0x200, s28;
	[dreg:$0xb] =	wrdreg s28  }
0x15: {  	s15 =	sadd.s32 s2, s12;
	s12 =	sshll.u32 s6, $0x8;
	[dreg:$0xd] =	wrdreg s31  }
.Ltmp0:
0x16: {  	s0 =	sadd.s32 s0, s24;
	[dreg:$0x7] =	wrdreg s15;
	(pc) =	sbr.rel .LBB2_1-.Ltmp0, $4  }
0x17: {  	s6 =	sand.u32 $0x380, s26;
	s16 =	sadd.s32 $0x80, s15;
	[dreg:$0xa] =	wrdreg s0  }
0x18: {  	v2 =	vmov s9;
	v0 =	vmov s10;
	v4 =	vmov s14;
	s22 =	sadd.s32 $0x100, s15;
	s0 =	sand.u32 $0x20000, s25;
	[dreg:$0x8] =	wrdreg s16  }
0x19: {  	v1 =	vmov s17;
	v5 =	vmov s18;
	v2 =	vbroadcast v2, $0x0;
	[dreg:$0x9] =	wrdreg s22;
	s16 =	sor.u32 s0, s6;
	s0 =	sadd.s32 $0x400, s28  }
0x1a: {  	v3 =	vmov s20;
	v4 =	vbroadcast v4, $0x0;
	v5 =	vbroadcast v5, $0x0;
	s24 =	simm.s32 $0x80;
	s15 =	sshll.u32 s8, $0x1;
	[dreg:$0xe] =	wrdreg s0  }
.LBB2_12:
0x1b: {  	_ =	swait.ge [sflag:s0], $0x1000  }
0x1c: {  	[sflag:s0] =	ssyncset.done $0x0  }
0x1d: {  	[sflag:s0] =	ssyncadd.s32 $0xFFFFF000  }
0x1e: {  	_ =	swait.ge [sflag:s4], $0x1000  }
0x1f: {  	[sflag:s4] =	ssyncset.done $0x0  }
0x20: {  	s28 =	simm.s32 $0x6;
	[sflag:s4] =	ssyncadd.s32 $0xFFFFF000  }
0x21: {  	_ =	swait.ge [sflag:s28], $0x1000  }
0x22: {  	s29 =	sadd.s32 $0x1, s29;
	s31 =	rddreg [dreg:$0xc]  }
0x23: {  	p1 =	sne.s32 s29, s31  }
.Ltmp1:
0x24: {  	_ = 	snop;
	(pc) =	sbr.rel @!p1 .LBB2_13-.Ltmp1, $3  }
0x25: {  	_ =	sdelay $0x1  }
0x26: {  	[sflag:s28] =	ssyncset.done $0x0  }
0x27: {  	[sflag:s28] =	ssyncadd.s32 $0xFFFFF000  }
.LBB2_1:
0x28: {  	s0 =	simm.s32 $0x0  }
.Ltmp2:
0x29: {  	s4 =	rddreg [dreg:$0x6];
	s31 =	simm.s32 $0x7;
	(pc) =	sbr.rel @p0 .LBB2_7-.Ltmp2, $4  }
0x2a: {  	[tilespmem:s0], [sflag:$0x7] =	stream.linear.gather [hbm4b:s4+s0], $0x80, $0x38;
	[tilespmem:$0x1E780] =	vst v63  }
0x2b: {  	_ =	swait.ge [sflag:s31], $0x80  }
0x2c: {  	[sflag:s31] =	ssyncset.done $0x0  }
0x2d: {  	[sflag:s31] =	ssyncadd.s32 $0xFFFFFF80  }
0x2e: {  	s0 =	rddreg [dreg:$0xa];
	s4 =	simm.s32 $0x400;
	s22 =	simm.s32 $0x1  }
0x2f: {  	[tilespmem:s24], [sflag:$0x1] =	stream.strided.gather [hbm4b:s0+s24], $0x18700, s4, s24, $0x38;
	[tilespmem:$0x1E780] =	vst v63  }
0x30: {  	_ =	swait.ge [sflag:s22], $0x18700  }
0x31: {  	s5 =	simm.s32 $0x18780;
	[sflag:s22] =	ssyncset.done $0x0  }
0x32: {  	s4 =	simm.s32 $0x0;
	s23 =	rddreg [dreg:$0xb];
	[sflag:s22] =	ssyncadd.s32 $0xFFFE7900  }
0x33: {  	[tilespmem:s5], [sflag:$0x1] =	stream.linear.gather [hbm4b:s23+s4], $0x1000, $0x38;
	[tilespmem:$0x1E780] =	vst v63  }
0x34: {  	s26 =	simm.s32 $0x19780;
	s31 =	simm.s32 $0x1A780;
	s25 =	rddreg [dreg:$0xd]  }
0x35: {  	[tilespmem:s26], [sflag:$0x2] =	stream.linear.gather [hbm4b:s25+s4], $0x1000, $0x38;
	[tilespmem:$0x1E780] =	vst v63  }
0x36: {  	s8 =	simm.s32 $0x0;
	s28 =	rddreg [dreg:$0xe];
	s5 =	simm.s32 $0x0  }
0x37: {  	[tilespmem:s31], [sflag:$0x3] =	stream.linear.gather [hbm4b:s28+s4], $0x1000, $0x38;
	[tilespmem:$0x1E780] =	vst v63  }
.LBB2_3:
0x38: {  	s0 =	smul.u32 $0xAAAB, s8;
	_ =	sdelay $0x1  }
0x39: {  	s0 =	sshrl.u32 s0, $0x11  }
0x3a: {  	s0 =	smul.u32 $0x3, s0;
	_ =	sdelay $0x1  }
0x3b: {  	s0 =	ssub.s32 s8, s0  }
0x3c: {  	s6 =	smulhi.u32 $0xAAAAAAAB, s8;
	s0 =	sand.u32 $0xFFFF, s0  }
0x3d: {  	p1 =	slt.u32 s8, $0x3;
	s9 =	sadd.s32 $0x1, s0  }
0x3e: {  	s14 =	sand.u32 $0x380, s4;
	s6 =	sshrl.u32 s6, $0x1;
	_ =	swait.ge [sflag:s9], $0x1000  }
0x3f: {  	s18 =	sand.u32 $0x3, s4;
	s6 =	smul.u32 $0x3000, s6;
	[sflag:s9] =	ssyncset.done $0x0  }
0x40: {  	s20 =	sand.u32 $0xC00, s4;
	s10 =	sadd.s32 @!p1 $0x4, s0;
	[sflag:s9] =	ssyncadd.s32 $0xFFFFF000  }
0x41: {  	s17 =	ssub.s32 s5, s6;
	s6 =	sshll.u32 s0, $0xC;
	_ =	swait.ge @!p1 [sflag:s10], $0x1000  }
0x42: {  	s18 =	sshll.u32 s18, $0xA;
	s14 =	sor.u32 s14, s6;
	[sflag:s10] =	ssyncset.done @!p1 $0x0  }
0x43: {  	s31 =	sadd.s32 s18, s17;
	s14 =	sor.u32 s20, s14;
	[sflag:s10] =	ssyncadd.s32 @!p1 $0xFFFFF000  }
0x44: {  	s20 =	sor.u32 $0x70, s31;
	v7 =	vld [tilespmem:s14+$0x187D0]  }
0x45: {  	s18 =	sor.u32 $0x60, s31;
	v9 =	vld [tilespmem:s20+$0x18780]  }
0x46: {  	v14 =	vld [tilespmem:s18+$0x18780]  }
0x47: {  	v15 =	vld [tilespmem:s14+$0x18780]  }
0x48: {  	v12 =	vld [tilespmem:s14+$0x18790]  }
0x49: {  	v10 =	vld [tilespmem:s14+$0x187A0]  }
0x4a: {  	v8 =	vld [tilespmem:s14+$0x187B0]  }
0x4b: {  	v6 =	vld [tilespmem:s14+$0x187C0]  }
0x4c: {  	v13 =	vld.idx.msk [tilespmem:v7+s24+$0x0], $0xffff  }
0x4d: {  	v11 =	vld.idx.msk [tilespmem:v9+s24+$0x0], $0xffff  }
0x4e: {  	s21 =	simm.s32 $0x0;
	s22 =	simm.s32 $0x20;
	v9 =	vld.idx.msk [tilespmem:v14+s24+$0x0], $0xffff  }
0x4f: {  	s23 =	simm.s32 $0x400;
	s25 =	simm.s32 $0x0;
	s10 =	sor.u32 $0x18780, s6;
	v7 =	vld.idx.msk [tilespmem:v15+s24+$0x0], $0xffff  }
.LBB2_4:
0x50: {  	s26 =	sand.u32 $0xC00, s23;
	s31 =	sand.u32 $0x380, s22;
	v12 =	vld.idx.msk [tilespmem:v12+s24+$0x0], $0xffff;
	s25 =	sadd.s32 $0x1, s25  }
0x51: {  	s21 =	sadd.s32 $0x8, s21;
	s28 =	sand.u32 $0x3, s25;
	s31 =	sor.u32 s31, s6;
	v10 =	vld.idx.msk [tilespmem:v10+s24+$0x0], $0xffff  }
0x52: {  	s17 =	sadd.s32 $0x20, s17;
	p1 =	slt.u32 s21, $0xF8;
	s28 =	sshll.u32 s28, $0xA;
	v8 =	vld.idx.msk [tilespmem:v8+s24+$0x0], $0xffff;
	[tilespmem:s14+$0x1B7D0] =	vst v13  }
0x53: {  	s26 =	sor.u32 s26, s31;
	s28 =	sadd.s32 s28, s17;
	v6 =	vld.idx.msk [tilespmem:v6+s24+$0x0], $0xffff;
	[tilespmem:s20+$0x1B780] =	vst v11  }
0x54: {  	v11 =	vld [tilespmem:s26+$0x187D0];
	s20 =	sor.u32 $0x70, s28;
	[tilespmem:s18+$0x1B780] =	vst v9;
	s18 =	sor.u32 $0x60, s28  }
0x55: {  	v9 =	vld [tilespmem:s20+$0x18780];
	[tilespmem:s14+$0x1B780] =	vst v7  }
0x56: {  	v7 =	vld [tilespmem:s18+$0x18780];
	[tilespmem:s14+$0x1B790] =	vst v12  }
0x57: {  	v14 =	vld [tilespmem:s26+$0x18780];
	[tilespmem:s14+$0x1B7A0] =	vst v10  }
0x58: {  	v12 =	vld [tilespmem:s26+$0x18790];
	[tilespmem:s14+$0x1B7B0] =	vst v8  }
0x59: {  	v10 =	vld [tilespmem:s26+$0x187A0];
	[tilespmem:s14+$0x1B7C0] =	vst v6;
	s14 =	smov.u32 s26  }
0x5a: {  	v8 =	vld [tilespmem:s14+$0x187B0]  }
.Ltmp3:
0x5b: {  	v6 =	vld [tilespmem:s14+$0x187C0];
	(pc) =	sbr.rel @p1 .LBB2_4-.Ltmp3, $4  }
0x5c: {  	v13 =	vld.idx.msk [tilespmem:v11+s24+$0x0], $0xffff  }
0x5d: {  	v11 =	vld.idx.msk [tilespmem:v9+s24+$0x0], $0xffff  }
0x5e: {  	v9 =	vld.idx.msk [tilespmem:v7+s24+$0x0], $0xffff  }
0x5f: {  	s22 =	sadd.s32 $0x20, s22;
	s23 =	sadd.s32 $0x400, s23;
	v7 =	vld.idx.msk [tilespmem:v14+s24+$0x0], $0xffff  }
0x60: {  	_ =	sdelay $0x3  }
0x61: {  	v12 =	vld.idx.msk [tilespmem:v12+s24+$0x0], $0xffff  }
0x62: {  	v10 =	vld.idx.msk [tilespmem:v10+s24+$0x0], $0xffff;
	[tilespmem:s14+$0x1B7D0] =	vst v13  }
0x63: {  	v8 =	vld.idx.msk [tilespmem:v8+s24+$0x0], $0xffff;
	[tilespmem:s20+$0x1B780] =	vst v11  }
0x64: {  	v6 =	vld.idx.msk [tilespmem:v6+s24+$0x0], $0xffff;
	s17 =	sshrl.u32 s8, $0x4;
	s28 =	sshll.u32 s8, $0xC;
	[tilespmem:s18+$0x1B780] =	vst v9  }
0x65: {  	s31 =	sshll.u32 s17, $0x15;
	s17 =	sshll.u32 s17, $0x10;
	s18 =	sadd.s32 s19, s28;
	[tilespmem:s14+$0x1B780] =	vst v7  }
0x66: {  	s20 =	sor.u32 s31, s16;
	s17 =	ssub.s32 s18, s17;
	[tilespmem:s14+$0x1B790] =	vst v12  }
0x67: {  	[tilespmem:s14+$0x1B7A0] =	vst v10;
	s17 =	sadd.s32 s17, s20  }
0x68: {  	[tilespmem:s14+$0x1B7B0] =	vst v8;
	s17 =	sshrl.u32 s17, $0x3  }
0x69: {  	s0 =	sadd.s32 $0x4, s0;
	s22 =	sadd.s32 $0x1B780, s6;
	[tilespmem:s14+$0x1B7C0] =	vst v6;
	s21 =	sadd.s32 s3, s17  }
0x6a: {  	[hbm4b:s21+s24] =	stream.strided.scatter [tilespmem:s22], [sflag:s0], $0x400, s30, s24, $0x38;
	[tilespmem:$0x1E780] =	vst v63  }
0x6b: {  	s23 =	sadd.s32 $0x1BB80, s6;
	s25 =	sadd.s32 $0x80, s21  }
0x6c: {  	[hbm4b:s25+s24] =	stream.strided.scatter [tilespmem:s23], [sflag:s0], $0x400, s30, s24, $0x38;
	[tilespmem:$0x1E780] =	vst v63  }
0x6d: {  	s26 =	sadd.s32 $0x1BF80, s6;
	s28 =	sadd.s32 $0x100, s21  }
0x6e: {  	[hbm4b:s28+s24] =	stream.strided.scatter [tilespmem:s26], [sflag:s0], $0x400, s30, s24, $0x38;
	[tilespmem:$0x1E780] =	vst v63  }
0x6f: {  	p1 =	sgt.u32 s8, $0x18C;
	s31 =	sadd.s32 $0x1C380, s6;
	s14 =	sadd.s32 $0x180, s21  }
0x70: {  	[hbm4b:s14+s24] =	stream.strided.scatter [tilespmem:s31], [sflag:s0], $0x400, s30, s24, $0x38;
	[tilespmem:$0x1E780] =	vst v63  }
0x71: {  	s0 =	sadd.s32 @!p1 $0x3, s8  }
0x72: {  	s6 =	sshll.u32 @!p1 s0, $0x9;
	s0 =	sshrl.u32 @!p1 s0, $0x4  }
0x73: {  	s6 =	sadd.s32 @!p1 s7, s6;
	s14 =	sshll.u32 @!p1 s0, $0xD  }
0x74: {  	s0 =	sshll.u32 @!p1 s0, $0xE;
	s6 =	ssub.s32 @!p1 s6, s14  }
0x75: {  	s0 =	sadd.s32 @!p1 s0, s6  }
0x76: {  	s0 =	sand.u32 @!p1 $0x1FFFFE00, s0  }
0x77: {  	s8 =	sadd.s32 $0x1, s8;
	s6 =	simm.s32 @!p1 $0x0;
	s0 =	sadd.s32 @!p1 s1, s0  }
0x78: {  	[tilespmem:s10], [sflag:s9] =	stream.linear.gather @!p1 [hbm4b:s0+s6], $0x1000, $0x38;
	[tilespmem:$0x1E780] =	vst v63  }
0x79: {  	p1 =	seq.s32 s8, $0x190  }
.Ltmp4:
0x7a: {  	_ = 	snop;
	(pc) =	sbr.rel @!p1 .LBB2_3-.Ltmp4, $2  }
0x7b: {  	_ =	sdelay $0x2  }
0x7c: {  	s5 =	sadd.s32 $0x1000, s5  }
.Ltmp5:
0x7d: {  	(pc) =	sbr.rel .LBB2_12-.Ltmp5, $2  }
0x7e: {  	_ =	sdelay $0x2  }
0x7f: {  	s4 =	simm.s32 $0x5;
	s0 =	simm.s32 $0x4  }
.LBB2_7:
0x80: {  	_ =	sdelay $0x2  }
0x81: {  	s5 =	simm.s32 $0x0  }
0x82: {  	v6 =	vld.idx.msk [tilespmem:v2+s5+$0x0], $0xffff  }
0x83: {  	v7 =	vld.idx.msk [tilespmem:v0+s5+$0x0], $0xffff  }
0x84: {  	v8 =	vld.idx.msk [tilespmem:v4+s5+$0x0], $0xffff  }
0x85: {  	v9 =	vld.idx.msk [tilespmem:v1+s5+$0x0], $0xffff  }
0x86: {  	s0 =	rddreg [dreg:$0x7];
	s4 =	simm.s32 $0x400;
	s6 =	simm.s32 $0x8000;
	v10 =	vld.idx.msk [tilespmem:v5+s5+$0x0], $0xffff  }
0x87: {  	v11 =	vld.idx.msk [tilespmem:v3+s5+$0x0], $0xffff;
	[tilespmem:s24], [sflag:$0x1] =	stream.strided.gather [hbm4b:s0+s4], $0x2000, s6, s4, $0x38  }
0x88: {  	s26 =	rddreg [dreg:$0x8];
	s8 =	simm.s32 $0x2080  }
0x89: {  	[tilespmem:s8], [sflag:$0x2] =	stream.strided.gather [hbm4b:s26+s4], $0x2000, s6, s4, $0x38;
	[tilespmem:$0x1E780] =	vst v63  }
0x8a: {  	s28 =	rddreg [dreg:$0x9];
	s31 =	simm.s32 $0x4080;
	s26 =	simm.s32 $0x0  }
0x8b: {  	[tilespmem:s31], [sflag:$0x3] =	stream.strided.gather [hbm4b:s28+s4], $0x2000, s6, s4, $0x38;
	[tilespmem:$0x1E780] =	vst v63  }
.LBB2_8:
0x8c: {  	s0 =	smul.u32 $0xAB, s26;
	_ =	sdelay $0x1  }
0x8d: {  	s0 =	sshrl.u32 s0, $0x9  }
0x8e: {  	s0 =	sand.u32 $0x7F, s0  }
0x8f: {  	s0 =	smul.u32 $0x3, s0;
	_ =	sdelay $0x1  }
0x90: {  	s0 =	ssub.s32 s26, s0  }
0x91: {  	s10 =	sand.u32 $0xFF, s0  }
0x92: {  	s4 =	sadd.s32 $0x1, s10  }
0x93: {  	_ =	swait.ge [sflag:s4], $0x2000  }
0x94: {  	p1 =	slt.u32 s26, $0x3;
	[sflag:s4] =	ssyncset.done $0x0  }
0x95: {  	s0 =	sadd.s32 @!p1 $0x4, s10;
	[sflag:s4] =	ssyncadd.s32 $0xFFFFE000  }
0x96: {  	s9 =	sshll.u32 s10, $0xD;
	_ =	swait.ge @!p1 [sflag:s0], $0x1000  }
0x97: {  	v12 =	vmov s9;
	[sflag:s0] =	ssyncset.done @!p1 $0x0  }
0x98: {  	[sflag:s0] =	ssyncadd.s32 @!p1 $0xFFFFF000  }
0x99: {  	s6 =	simm.s32 $0x0;
	s17 =	sand.u32 $0xC00, s5;
	_ =	swait.ge @!p1 [sflag:s0], $0x1000  }
0x9a: {  	s6 =	sand.u32 $0x3FFFFC00, s6;
	s8 =	sshrl.u32 s17, $0x2;
	[sflag:s0] =	ssyncset.done @!p1 $0x0  }
0x9b: {  	s25 =	sor.u32 s8, s6;
	[sflag:s0] =	ssyncadd.s32 @!p1 $0xFFFFF000  }
0x9c: {  	v13 =	vld.idx.msk [tilespmem:v12+s25+$0xE0 ss:$0x1], $0xffff  }
0x9d: {  	v14 =	vld.idx.msk [tilespmem:v12+s25+$0xF0 ss:$0x1], $0xffff  }
0x9e: {  	v15 =	vld.idx.msk [tilespmem:v12+s25+$0xC0 ss:$0x1], $0xffff  }
0x9f: {  	v16 =	vld.idx.msk [tilespmem:v12+s25+$0x160 ss:$0x1], $0xffff  }
0xa0: {  	v17 =	vld.idx.msk [tilespmem:v12+s25+$0x140 ss:$0x1], $0xffff  }
0xa1: {  	v18 =	vld.idx.msk [tilespmem:v12+s25+$0x130 ss:$0x1], $0xffff  }
0xa2: {  	v20 =	vld.idx.msk [tilespmem:v12+s25+$0xB0 ss:$0x1], $0xffff  }
0xa3: {  	v23 =	vld.idx.msk [tilespmem:v12+s25+$0x170 ss:$0x1], $0xffff;
	v21 =	vmul.f32 v13, v7;
	v22 =	vmul.f32 v15, v7  }
0xa4: {  	v25 =	vld.idx.msk [tilespmem:v12+s25+$0x90 ss:$0x1], $0xffff;
	v15 =	vmul.f32 v15, v6;
	v24 =	vmul.f32 v14, v7  }
0xa5: {  	v31 =	vld.idx.msk [tilespmem:v12+s25+$0x150 ss:$0x1], $0xffff;
	v26 =	vmul.f32 v17, v8;
	v17 =	vmul.f32 v17, v9  }
0xa6: {  	v34 =	vld.idx.msk [tilespmem:v12+s25+$0x110 ss:$0x1], $0xffff;
	v29 =	vmul.f32 v16, v8;
	v13 =	vmul.f32 v13, v6  }
0xa7: {  	v19 =	vld.idx.msk [tilespmem:v12+s25+$0xD0 ss:$0x1], $0xffff;
	v30 =	vmul.f32 v20, v6;
	v14 =	vmul.f32 v14, v6  }
0xa8: {  	s8 =	simm.s32 $0x400;
	v27 =	vld.idx.msk [tilespmem:v12+s25+$0x120 ss:$0x1], $0xffff;
	v20 =	vmul.f32 v20, v7;
	v32 =	vmul.f32 v18, v8  }
0xa9: {  	s21 =	simm.s32 $0x100;
	s23 =	sand.u32 $0xC00, s8;
	v28 =	vld.idx.msk [tilespmem:v12+s25+$0xA0 ss:$0x1], $0xffff;
	v35 =	vmul.f32 v25, v7;
	v18 =	vmul.f32 v18, v9  }
0xaa: {  	s21 =	sand.u32 $0x3FFFFC00, s21;
	s22 =	sshrl.u32 s23, $0x2;
	v33 =	vld.idx.msk [tilespmem:v12+s25+$0x80 ss:$0x1], $0xffff;
	v57 =	vmul.f32 v31, v9;
	v36 =	vmul.f32 v23, v8  }
0xab: {  	v37 =	vld.idx.msk [tilespmem:v12+s25+$0x100 ss:$0x1], $0xffff;
	s25 =	sor.u32 s22, s21;
	v23 =	vmul.f32 v23, v9;
	v38 =	vmul.f32 v34, v8  }
0xac: {  	v58 =	vld.idx.msk [tilespmem:v12+s25+$0x140 ss:$0x1], $0xffff;
	v15 =	vadd.f32 v26, v15;
	v26 =	vmul.f32 v19, v7;
	v13 =	vadd.f32 v29, v13  }
0xad: {  	v40 =	vld.idx.msk [tilespmem:v12+s25+$0x130 ss:$0x1], $0xffff;
	v29 =	vmul.f32 v25, v6;
	v17 =	vadd.f32 v17, v22;
	v22 =	vmul.f32 v27, v8  }
0xae: {  	v25 =	vmul.f32 v28, v7;
	v30 =	vadd.f32 v32, v30;
	v28 =	vmul.f32 v28, v6  }
0xaf: {  	s28 =	simm.s32 $0x0;
	s20 =	sadd.s32 $0x6080, s9;
	v27 =	vmul.f32 v27, v9;
	v14 =	vadd.f32 v36, v14;
	v20 =	vadd.f32 v18, v20  }
0xb0: {  	s18 =	sand.u32 $0xFFFFFF80, s28;
	s31 =	sadd.s32 s17, s20;
	v59 =	vld.idx.msk [tilespmem:v12+s25+$0xB0 ss:$0x1], $0xffff;
	v19 =	vmul.f32 v19, v6;
	v13 =	vadd.f32 v13, v10;
	v15 =	vadd.f32 v15, v10  }
0xb1: {  	s6 =	sadd.s32 s18, s31;
	v43 =	vld.idx.msk [tilespmem:v12+s25+$0x90 ss:$0x1], $0xffff;
	v32 =	vmul.f32 v58, v9;
	v17 =	vadd.f32 v17, v11;
	v14 =	vadd.f32 v14, v10  }
0xb2: {  	v36 =	vmul.f32 v40, v8;
	v25 =	vadd.f32 v27, v25;
	v27 =	vadd.f32 v20, v11;
	[tilespmem:s6+$0x60] =	vst v13  }
0xb3: {  	s14 =	sadd.s32 $0x7080, s9;
	v29 =	vadd.f32 v38, v29;
	v13 =	vmul.f32 v16, v9;
	v16 =	vadd.f32 v22, v28;
	[tilespmem:s6+$0x40] =	vst v15  }
0xb4: {  	s17 =	sadd.s32 s17, s14;
	v15 =	vadd.f32 v23, v24;
	v23 =	vld.idx.msk [tilespmem:v12+s25+$0xE0 ss:$0x1], $0xffff;
	v22 =	vmul.f32 v33, v6;
	v28 =	vmul.f32 v33, v7  }
0xb5: {  	s17 =	sadd.s32 s18, s17;
	[tilespmem:s6+$0x70] =	vst v14;
	v14 =	vadd.f32 v30, v10;
	v42 =	vadd.f32 v25, v11;
	v25 =	vmul.f32 v58, v8  }
0xb6: {  	v29 =	vadd.f32 v29, v10;
	[tilespmem:s17+$0x40] =	vst v17;
	v17 =	vadd.f32 v57, v26;
	v26 =	vld.idx.msk [tilespmem:v12+s25+$0xC0 ss:$0x1], $0xffff  }
0xb7: {  	v33 =	vmul.f32 v59, v6;
	v13 =	vadd.f32 v13, v21;
	v21 =	vld.idx.msk [tilespmem:v12+s25+$0xF0 ss:$0x1], $0xffff;
	[tilespmem:s6+$0x30] =	vst v14  }
0xb8: {  	v24 =	vadd.f32 v16, v10;
	v16 =	vld.idx.msk [tilespmem:v12+s25+$0x160 ss:$0x1], $0xffff;
	v14 =	vmul.f32 v31, v8;
	[tilespmem:s6+$0x10] =	vst v29  }
0xb9: {  	v39 =	vadd.f32 v17, v11;
	v17 =	vmul.f32 v37, v8;
	[tilespmem:s17+$0x30] =	vst v27;
	v13 =	vadd.f32 v13, v11  }
0xba: {  	[tilespmem:s6+$0x20] =	vst v24;
	v14 =	vadd.f32 v14, v19;
	v19 =	vld.idx.msk [tilespmem:v12+s25+$0x150 ss:$0x1], $0xffff;
	v24 =	vmul.f32 v59, v7  }
0xbb: {  	v18 =	vmul.f32 v23, v7;
	v23 =	vmul.f32 v23, v6;
	[tilespmem:s17+$0x60] =	vst v13;
	v13 =	vadd.f32 v15, v11  }
0xbc: {  	v15 =	vadd.f32 v17, v22;
	v22 =	vmul.f32 v37, v9;
	v17 =	vld.idx.msk [tilespmem:v12+s25+$0xD0 ss:$0x1], $0xffff;
	v30 =	vmul.f32 v26, v7  }
0xbd: {  	[tilespmem:s17+$0x20] =	vst v42;
	v31 =	vmul.f32 v26, v6;
	v26 =	vld.idx.msk [tilespmem:v12+s25+$0x120 ss:$0x1], $0xffff;
	v20 =	vmul.f32 v21, v7  }
0xbe: {  	v62 =	vadd.f32 v14, v10;
	v14 =	vld.idx.msk [tilespmem:v12+s25+$0x110 ss:$0x1], $0xffff;
	v44 =	vmul.f32 v16, v8;
	v27 =	vmul.f32 v21, v6  }
0xbf: {  	v21 =	vmul.f32 v43, v6;
	v60 =	vadd.f32 v15, v10;
	v41 =	vadd.f32 v22, v28;
	v28 =	vld.idx.msk [tilespmem:v12+s25+$0xA0 ss:$0x1], $0xffff  }
0xc0: {  	v22 =	vld.idx.msk [tilespmem:v12+s25+$0x170 ss:$0x1], $0xffff;
	v31 =	vadd.f32 v25, v31;
	[tilespmem:s17+$0x70] =	vst v13;
	v13 =	vmul.f32 v34, v9  }
0xc1: {  	v15 =	vld.idx.msk [tilespmem:v12+s25+$0x80 ss:$0x1], $0xffff;
	v30 =	vadd.f32 v32, v30;
	[tilespmem:s6+$0x50] =	vst v62;
	v61 =	vadd.f32 v44, v23  }
0xc2: {  	s28 =	simm.s32 $0x20;
	v32 =	vmul.f32 v40, v9;
	v23 =	vld.idx.msk [tilespmem:v12+s25+$0x100 ss:$0x1], $0xffff;
	v63 =	vadd.f32 v13, v35;
	v13 =	vmul.f32 v43, v7  }
0xc3: {  	s31 =	sadd.s32 s23, s14;
	s0 =	sand.u32 $0xFFFFFF80, s28;
	s21 =	sor.u32 $0x80, s9;
	[tilespmem:s17+$0x50] =	vst v39;
	v37 =	vadd.f32 v41, v11;
	v25 =	vmul.f32 v17, v7;
	v34 =	vadd.f32 v61, v10  }
0xc4: {  	s18 =	sadd.s32 s0, s31;
	s25 =	simm.s32 $0x8;
	[tilespmem:s6+$0x0] =	vst v60;
	s6 =	sadd.s32 s23, s20;
	v35 =	vmul.f32 v26, v8;
	v38 =	vadd.f32 v63, v11;
	v29 =	vmul.f32 v28, v7  }
.LBB2_9:
0xc5: {  	s25 =	sadd.s32 $0x8, s25;
	s23 =	sadd.s32 s0, s6;
	v33 =	vadd.f32 v36, v33;
	v36 =	vmul.f32 v19, v9;
	v39 =	vmul.f32 v22, v8;
	s8 =	sadd.s32 $0x400, s8;
	[tilespmem:s17+$0x0] =	vst v37  }
0xc6: {  	v28 =	vmul.f32 v28, v6;
	v31 =	vadd.f32 v31, v10;
	v22 =	vmul.f32 v22, v9;
	s0 =	sshll.u32 s25, $0x5;
	s22 =	sand.u32 $0xC00, s8;
	s6 =	sshll.u32 s25, $0x2;
	[tilespmem:s17+$0x10] =	vst v38  }
0xc7: {  	v26 =	vmul.f32 v26, v9;
	v30 =	vadd.f32 v30, v11;
	v16 =	vmul.f32 v16, v9;
	s17 =	sand.u32 $0x3FFFFC00, s0;
	s28 =	sshrl.u32 s22, $0x2;
	s0 =	sand.u32 $0xFFFFFF80, s6;
	[tilespmem:s23+$0x60] =	vst v34  }
0xc8: {  	p1 =	slt.u32 s25, $0xF8;
	s6 =	sadd.s32 s22, s20;
	v34 =	vmul.f32 v14, v8;
	v28 =	vadd.f32 v35, v28;
	v20 =	vadd.f32 v22, v20;
	s31 =	sor.u32 s28, s17;
	[tilespmem:s23+$0x40] =	vst v31  }
0xc9: {  	s22 =	sadd.s32 s22, s14;
	v22 =	vadd.f32 v36, v25;
	v16 =	vadd.f32 v16, v18;
	s17 =	smov.u32 s18;
	v35 =	vld.idx.msk [tilespmem:v12+s31+$0xE0 ss:$0x1], $0xffff;
	[tilespmem:s18+$0x40] =	vst v30  }
0xca: {  	v18 =	vmul.f32 v15, v6;
	v27 =	vadd.f32 v39, v27;
	v28 =	vadd.f32 v28, v10;
	v25 =	vld.idx.msk [tilespmem:v12+s31+$0xF0 ss:$0x1], $0xffff  }
0xcb: {  	v15 =	vmul.f32 v15, v7;
	v39 =	vadd.f32 v22, v11;
	v22 =	vadd.f32 v16, v11;
	v30 =	vld.idx.msk [tilespmem:v12+s31+$0xC0 ss:$0x1], $0xffff  }
0xcc: {  	v24 =	vadd.f32 v32, v24;
	v31 =	vmul.f32 v23, v8;
	v27 =	vadd.f32 v27, v10;
	v16 =	vld.idx.msk [tilespmem:v12+s31+$0x160 ss:$0x1], $0xffff  }
0xcd: {  	v26 =	vadd.f32 v26, v29;
	v29 =	vadd.f32 v20, v11;
	v32 =	vld.idx.msk [tilespmem:v12+s31+$0x140 ss:$0x1], $0xffff;
	[tilespmem:s17+$0x60] =	vst v22  }
0xce: {  	v20 =	vadd.f32 v31, v18;
	v22 =	vmul.f32 v23, v9;
	v38 =	vld.idx.msk [tilespmem:v12+s31+$0x130 ss:$0x1], $0xffff;
	[tilespmem:s23+$0x70] =	vst v27  }
0xcf: {  	v24 =	vadd.f32 v24, v11;
	v23 =	vadd.f32 v33, v10;
	v18 =	vmul.f32 v35, v7;
	v36 =	vld.idx.msk [tilespmem:v12+s31+$0xD0 ss:$0x1], $0xffff  }
0xd0: {  	v17 =	vmul.f32 v17, v6;
	v40 =	vadd.f32 v20, v10;
	v41 =	vadd.f32 v22, v15;
	v37 =	vld.idx.msk [tilespmem:v12+s31+$0xB0 ss:$0x1], $0xffff  }
0xd1: {  	v19 =	vmul.f32 v19, v8;
	v27 =	vmul.f32 v30, v7;
	v22 =	vld.idx.msk [tilespmem:v12+s31+$0x170 ss:$0x1], $0xffff;
	[tilespmem:s23+$0x30] =	vst v23  }
0xd2: {  	v42 =	vadd.f32 v26, v11;
	v20 =	vmul.f32 v25, v7;
	v23 =	vmul.f32 v30, v6;
	v15 =	vld.idx.msk [tilespmem:v12+s31+$0x80 ss:$0x1], $0xffff  }
0xd3: {  	v30 =	vmul.f32 v32, v8;
	v32 =	vmul.f32 v32, v9;
	v43 =	vld.idx.msk [tilespmem:v12+s31+$0x90 ss:$0x1], $0xffff;
	[tilespmem:s23+$0x20] =	vst v28  }
0xd4: {  	v21 =	vadd.f32 v34, v21;
	v44 =	vmul.f32 v16, v8;
	v28 =	vld.idx.msk [tilespmem:v12+s31+$0xA0 ss:$0x1], $0xffff;
	[tilespmem:s17+$0x30] =	vst v24  }
0xd5: {  	v17 =	vadd.f32 v19, v17;
	v31 =	vadd.f32 v30, v23;
	v23 =	vmul.f32 v35, v6;
	v26 =	vld.idx.msk [tilespmem:v12+s31+$0x120 ss:$0x1], $0xffff  }
0xd6: {  	v30 =	vadd.f32 v32, v27;
	v27 =	vmul.f32 v25, v6;
	v33 =	vmul.f32 v37, v6;
	v19 =	vld.idx.msk [tilespmem:v12+s31+$0x150 ss:$0x1], $0xffff  }
0xd7: {  	v35 =	vadd.f32 v21, v10;
	v24 =	vmul.f32 v37, v7;
	v32 =	vadd.f32 v44, v23;
	[tilespmem:s17+$0x70] =	vst v29  }
.Ltmp6:
0xd8: {  	v25 =	vmul.f32 v36, v7;
	v37 =	vadd.f32 v17, v10;
	v29 =	vmul.f32 v14, v9;
	[tilespmem:s23+$0x0] =	vst v40;
	(pc) =	sbr.rel @p1 .LBB2_9-.Ltmp6, $4  }
0xd9: {  	v17 =	vmov v36;
	v21 =	vmul.f32 v43, v6;
	v34 =	vadd.f32 v32, v10;
	v23 =	vld.idx.msk [tilespmem:v12+s31+$0x100 ss:$0x1], $0xffff;
	[tilespmem:s23+$0x10] =	vst v35  }
0xda: {  	v36 =	vmul.f32 v38, v8;
	v40 =	vadd.f32 v29, v13;
	v14 =	vld.idx.msk [tilespmem:v12+s31+$0x110 ss:$0x1], $0xffff;
	[tilespmem:s23+$0x50] =	vst v37  }
0xdb: {  	v13 =	vmul.f32 v43, v7;
	v35 =	vmul.f32 v26, v8;
	v37 =	vadd.f32 v41, v11;
	[tilespmem:s17+$0x20] =	vst v42  }
0xdc: {  	s18 =	sadd.s32 s0, s22;
	v32 =	vmul.f32 v38, v9;
	v29 =	vmul.f32 v28, v7;
	v38 =	vadd.f32 v40, v11;
	[tilespmem:s17+$0x50] =	vst v39  }
0xdd: {  	v12 =	vadd.f32 v36, v33;
	v16 =	vmul.f32 v16, v9;
	v43 =	vmul.f32 v22, v8;
	[tilespmem:s17+$0x0] =	vst v37  }
0xde: {  	v28 =	vmul.f32 v28, v6;
	v31 =	vadd.f32 v31, v10;
	s0 =	sadd.s32 s0, s6;
	v30 =	vadd.f32 v30, v11;
	[tilespmem:s17+$0x10] =	vst v38  }
0xdf: {  	v45 =	vmul.f32 v19, v9;
	v46 =	vmul.f32 v15, v6;
	[tilespmem:s0+$0x60] =	vst v34;
	v24 =	vadd.f32 v32, v24  }
0xe0: {  	v17 =	vmul.f32 v17, v6;
	v16 =	vadd.f32 v16, v18;
	[tilespmem:s0+$0x40] =	vst v31;
	v12 =	vadd.f32 v12, v10  }
0xe1: {  	v50 =	vmul.f32 v19, v8;
	v27 =	vadd.f32 v43, v27;
	[tilespmem:s18+$0x40] =	vst v30;
	v24 =	vadd.f32 v24, v11  }
0xe2: {  	v53 =	vmul.f32 v26, v9;
	v44 =	vadd.f32 v35, v28;
	v16 =	vadd.f32 v16, v11;
	[tilespmem:s0+$0x30] =	vst v12  }
0xe3: {  	v47 =	vmul.f32 v23, v8;
	v17 =	vadd.f32 v50, v17;
	v27 =	vadd.f32 v27, v10;
	[tilespmem:s18+$0x30] =	vst v24  }
0xe4: {  	v48 =	vmul.f32 v14, v8;
	v56 =	vadd.f32 v53, v29;
	v18 =	vadd.f32 v44, v10;
	[tilespmem:s18+$0x60] =	vst v16  }
0xe5: {  	v51 =	vmul.f32 v22, v9;
	v49 =	vadd.f32 v47, v46;
	v58 =	vadd.f32 v17, v10;
	[tilespmem:s0+$0x70] =	vst v27  }
0xe6: {  	v55 =	vmul.f32 v15, v7;
	v52 =	vadd.f32 v48, v21;
	v62 =	vadd.f32 v56, v11;
	[tilespmem:s0+$0x20] =	vst v18  }
0xe7: {  	v59 =	vadd.f32 v45, v25;
	v60 =	vmul.f32 v14, v9;
	v16 =	vadd.f32 v49, v10;
	[tilespmem:s0+$0x50] =	vst v58  }
0xe8: {  	s22 =	sshrl.u32 s26, $0x3;
	s8 =	sshll.u32 s26, $0xC;
	v57 =	vmul.f32 v23, v9;
	v54 =	vadd.f32 v51, v20;
	v12 =	vadd.f32 v52, v10;
	[tilespmem:s18+$0x20] =	vst v62  }
0xe9: {  	s23 =	sadd.s32 s11, s8;
	s25 =	sshll.u32 s22, $0xF;
	v63 =	vadd.f32 v59, v11;
	v13 =	vadd.f32 v60, v13;
	[tilespmem:s0+$0x0] =	vst v16  }
0xea: {  	s6 =	sshll.u32 s22, $0x15;
	v61 =	vadd.f32 v57, v55;
	v18 =	vadd.f32 v54, v11;
	[tilespmem:s0+$0x10] =	vst v12;
	s0 =	ssub.s32 s23, s25  }
0xeb: {  	v13 =	vadd.f32 v13, v11;
	[tilespmem:s18+$0x50] =	vst v63;
	s0 =	sadd.s32 s6, s0  }
0xec: {  	[tilespmem:s18+$0x70] =	vst v18;
	v12 =	vadd.f32 v61, v11;
	s6 =	sadd.s32 s12, s0  }
0xed: {  	[tilespmem:s18+$0x10] =	vst v13;
	s6 =	sshrl.u32 s6, $0x3  }
0xee: {  	s8 =	sadd.s32 $0x4, s10;
	[tilespmem:s18+$0x0] =	vst v12;
	s6 =	sadd.s32 s3, s6  }
0xef: {  	[hbm4b:s6+s24] =	stream.strided.scatter [tilespmem:s20], [sflag:s8], $0x400, s30, s24, $0x38;
	[tilespmem:$0x1E780] =	vst v63  }
0xf0: {  	s28 =	sadd.s32 $0x6480, s9;
	s31 =	sadd.s32 $0x80, s6  }
0xf1: {  	[hbm4b:s31+s24] =	stream.strided.scatter [tilespmem:s28], [sflag:s8], $0x400, s30, s24, $0x38;
	[tilespmem:$0x1E780] =	vst v63  }
0xf2: {  	s17 =	sadd.s32 $0x6880, s9;
	s0 =	sadd.s32 s13, s0;
	s18 =	sadd.s32 $0x100, s6  }
0xf3: {  	[hbm4b:s18+s24] =	stream.strided.scatter [tilespmem:s17], [sflag:s8], $0x400, s30, s24, $0x38;
	[tilespmem:$0x1E780] =	vst v63  }
0xf4: {  	s0 =	sshrl.u32 s0, $0x3;
	s20 =	sadd.s32 $0x6C80, s9;
	s6 =	sadd.s32 $0x180, s6  }
0xf5: {  	[hbm4b:s6+s24] =	stream.strided.scatter [tilespmem:s20], [sflag:s8], $0x400, s30, s24, $0x38;
	[tilespmem:$0x1E780] =	vst v63  }
0xf6: {  	s0 =	sadd.s32 s3, s0  }
0xf7: {  	[hbm4b:s0+s24] =	stream.strided.scatter [tilespmem:s14], [sflag:s8], $0x400, s30, s24, $0x38;
	[tilespmem:$0x1E780] =	vst v63  }
0xf8: {  	s22 =	sadd.s32 $0x7480, s9;
	s23 =	sadd.s32 $0x80, s0  }
0xf9: {  	[hbm4b:s23+s24] =	stream.strided.scatter [tilespmem:s22], [sflag:s8], $0x400, s30, s24, $0x38;
	[tilespmem:$0x1E780] =	vst v63  }
0xfa: {  	s25 =	sadd.s32 $0x7880, s9;
	s28 =	sadd.s32 $0x100, s0  }
0xfb: {  	[hbm4b:s28+s24] =	stream.strided.scatter [tilespmem:s25], [sflag:s8], $0x400, s30, s24, $0x38;
	[tilespmem:$0x1E780] =	vst v63  }
0xfc: {  	p1 =	sgt.u32 s26, $0xC4;
	s31 =	sadd.s32 $0x7C80, s9;
	s0 =	sadd.s32 $0x180, s0  }
0xfd: {  	[hbm4b:s0+s24] =	stream.strided.scatter [tilespmem:s31], [sflag:s8], $0x400, s30, s24, $0x38;
	[tilespmem:$0x1E780] =	vst v63  }
0xfe: {  	s0 =	sadd.s32 @!p1 $0x3, s26  }
0xff: {  	s6 =	sshrl.u32 @!p1 s0, $0x3;
	s0 =	sshll.u32 @!p1 s0, $0xA  }
0x100: {  	s0 =	sadd.s32 @!p1 s15, s0;
	s8 =	sshll.u32 @!p1 s6, $0xD  }
0x101: {  	s6 =	sshll.u32 @!p1 s6, $0x12;
	s0 =	ssub.s32 @!p1 s0, s8  }
0x102: {  	s0 =	sadd.s32 @!p1 s6, s0  }
0x103: {  	s26 =	sadd.s32 $0x1, s26;
	s0 =	sshrl.u32 @!p1 s0, $0x3  }
0x104: {  	s8 =	simm.s32 @!p1 $0x8000;
	s6 =	simm.s32 @!p1 $0x400;
	s0 =	sadd.s32 @!p1 s2, s0  }
0x105: {  	[tilespmem:s21], [sflag:s4] =	stream.strided.gather @!p1 [hbm4b:s0+s6], $0x2000, s8, s6, $0x38;
	[tilespmem:$0x1E780] =	vst v63  }
0x106: {  	p1 =	sne.s32 s26, $0xC8  }
.Ltmp7:
0x107: {  	_ = 	snop;
	(pc) =	sbr.rel @p1 .LBB2_8-.Ltmp7, $1  }
0x108: {  	_ =	sdelay $0x3  }
0x109: {  	s0 =	simm.s32 $0x4  }
0x10a: {  	_ =	swait.ge [sflag:s0], $0x1000  }
0x10b: {  	[sflag:s0] =	ssyncset.done $0x0  }
0x10c: {  	[sflag:s0] =	ssyncadd.s32 $0xFFFFF000  }
0x10d: {  	_ =	swait.ge [sflag:s0], $0x1000  }
.Ltmp8:
0x10e: {  	[sflag:s0] =	ssyncset.done $0x0;
	(pc) =	sbr.rel .LBB2_12-.Ltmp8, $4  }
0x10f: {  	[sflag:s0] =	ssyncadd.s32 $0xFFFFF000;
	s0 =	simm.s32 $0x5  }
0x110: {  	_ =	swait.ge [sflag:s0], $0x1000  }
0x111: {  	[sflag:s0] =	ssyncset.done $0x0  }
0x112: {  	s4 =	simm.s32 $0x6;
	[sflag:s0] =	ssyncadd.s32 $0xFFFFF000  }
.LBB2_13:
0x113: {  	_ =	sfence.sel $0x180000  }
0x114: {  	[bflag:$0x0] =	sbarrier.arrive $0xFFFF  }
0x115: {  	_ =	strace $0x90000047  }
0x116: {  	s0 =	stileid.u32;
	[bflag:$0x2] =	sbarrier.arrive $0xFFFF  }
0x117: {  	p0 =	sne.s32 s0, $0x0;
	s0 =	rddreg [dreg:$0x5]  }
0x118: {  	s0 =	sadd.s32 @!p0 $0x100000, s0  }
0x119: {  	[sflag:s0] =	ssyncadd.tile.s32 @!p0 $0x1;
	_ =	shalt  }
.Lfunc_end2:
_tile_overlayer_lowered:
.L_overlay_start_2:
0x11a: {  	(tag) =	ssettag $0x2  }
0x11b: {  	s0 =	rddreg [dreg:$0x0];
	s2 =	stileid.u32  }
0x11c: {  	s1 =	rddreg [dreg:$0x1];
	p0 =	sne.s32 s2, $0x0  }
0x11d: {  	s3 =	rddreg [dreg:$0x2];
	[bflag:$0x3] =	sbarrier.arrive $0xFFFF;
	s2 =	simm.s32 @!p0 $0x1C07  }
0x11e: {  	[timem:s3], [sflag:s2] =	dma.local @!p0 [hbm:s0], s1  }
0x11f: {  	s0 =	simm.s32 @!p0 $0x7  }
0x120: {  	_ =	swait.ge @!p0 [sflag:s0], s1  }
0x121: {  	s1 =	ssub.s32 @!p0 $0x0, s1;
	[sflag:s0] =	ssyncset.done @!p0 $0x0  }
0x122: {  	[sflag:s0] =	ssyncadd.s32 @!p0 s1  }
0x123: {  	[bflag:$0x3] =	sbarrier.arrive $0xFFFF  }
0x124: {  	_ =	shalt  }

</sc_bundles>
